<compile_context>
chip_gen: v7x
topology: tpu7x:2x2x1
jax: 0.10.2.dev20260603
libtpu: 0.0.44.dev20260713+nightly
codegen_flags: <defaults>
</compile_context>

<pallas_src>
import functools

import jax
import jax.numpy as jnp
from jax import lax
from jax.experimental import pallas as pl
from jax.experimental.pallas import tpu as pltpu
from jax.experimental.pallas import tpu_sc as plsc

N = 4096
M = 4096

NC = 2
NS = 16
L = 16
NW = NC * NS
RSC = 1536
RPW = RSC // NW
CHUNK = 8
NBUF = 2
NCHUNK = RPW // CHUNK
KV = N // L

_mesh = plsc.VectorSubcoreMesh(
    core_axis_name="c", subcore_axis_name="s", num_cores=NC, num_subcores=NS)


@functools.partial(
    pl.kernel,
    out_type=jax.ShapeDtypeStruct((NW, 2, L), jnp.float32),
    mesh=_mesh,
    scratch_types=[
        pltpu.VMEM((N,), jnp.float32),
        pltpu.VMEM((RPW,), jnp.float32),
        pltpu.VMEM((RPW,), jnp.float32),
        pltpu.VMEM((NBUF, CHUNK, N), jnp.float32),
        pltpu.VMEM((L, L), jnp.float32),
        pltpu.VMEM((2, L), jnp.float32),
        pltpu.SemaphoreType.DMA,
        pltpu.SemaphoreType.DMA,
    ],
    compiler_params=pltpu.CompilerParams(needs_layout_passes=False),
)
def _rel_kkt_sc(a_hbm, x_hbm, b_hbm, iy_hbm, out_hbm,
                x_v, b_v, iy_v, abuf, dots_v, st_v, sem0, sem1):
    wid = lax.axis_index("s") * NC + lax.axis_index("c")
    row0 = wid * RPW
    sems = (sem0, sem1)

    pltpu.sync_copy(x_hbm, x_v)
    pltpu.sync_copy(b_hbm.at[pl.ds(row0, RPW)], b_v)
    pltpu.sync_copy(iy_hbm.at[pl.ds(row0, RPW)], iy_v)

    def chunk_copy(g, buf_idx):
        return pltpu.make_async_copy(
            a_hbm.at[pl.ds(row0 + g * CHUNK, CHUNK)],
            abuf.at[buf_idx], sems[buf_idx])

    for bi in range(NBUF):
        chunk_copy(bi, bi).start()

    zero = jnp.zeros((L,), jnp.float32)
    lanes = lax.iota(jnp.int32, L)

    @pl.loop(0, NCHUNK, init_carry=zero, step=2)
    def totacc(g, totacc):
        for bi in range(2):
            gg = g + bi
            chunk_copy(gg, bi).wait()
            buf = abuf.at[bi]

            def body(k, accs, buf=buf):
                xk = x_v[pl.ds(k * L, L)]
                return tuple(accs[u] + buf[u, pl.ds(k * L, L)] * xk
                             for u in range(CHUNK))

            accs = lax.fori_loop(
                0, KV, body, tuple(zero for _ in range(CHUNK)))

            for u in range(CHUNK):
                dots_v[bi * CHUNK + u, :] = accs[u]

            @pl.when(gg + NBUF < NCHUNK)
            def _(gg=gg, bi=bi):
                chunk_copy(gg + NBUF, bi).start()

        rowsums = zero
        for cc in range(L):
            col = jnp.full((L,), cc, jnp.int32)
            rowsums = rowsums + plsc.load_gather(dots_v, [lanes, col])
        bq = b_v[pl.ds(g * CHUNK, L)]
        iq = iy_v[pl.ds(g * CHUNK, L)]
        v = rowsums - bq
        f = v + iq * jnp.maximum(-v, zero)
        return totacc + jnp.abs(f)

    bacc = zero
    for j in range(RPW // L):
        bacc = bacc + jnp.abs(b_v[pl.ds(j * L, L)])

    st_v[0, :] = totacc
    st_v[1, :] = bacc
    pltpu.sync_copy(st_v, out_hbm.at[wid])


BLK = 512
TC_ROWS = M - RSC
TC_GRID = TC_ROWS // BLK
TC_OFF = RSC // BLK


def _tc_body(a_ref, x_ref, b_ref, iy_ref, num_ref, bs_ref):
    i = pl.program_id(0)
    ax = jnp.sum(a_ref[...] * x_ref[...], axis=1, keepdims=True)
    v = ax - b_ref[...]
    f = v + iy_ref[...] * jnp.maximum(-v, 0.0)

    @pl.when(i == 0)
    def _():
        num_ref[...] = jnp.zeros((1, 1), jnp.float32)
        bs_ref[...] = jnp.zeros((1, 1), jnp.float32)

    num_ref[...] += jnp.sum(jnp.abs(f), keepdims=True)
    bs_ref[...] += jnp.sum(jnp.abs(b_ref[...]), keepdims=True)


_tc_call = pl.pallas_call(
    _tc_body,
    grid=(TC_GRID,),
    in_specs=[
        pl.BlockSpec((BLK, N), lambda i: (i + TC_OFF, 0)),
        pl.BlockSpec((1, N), lambda i: (0, 0)),
        pl.BlockSpec((BLK, 1), lambda i: (i + TC_OFF, 0)),
        pl.BlockSpec((BLK, 1), lambda i: (i + TC_OFF, 0)),
    ],
    out_specs=[
        pl.BlockSpec((1, 1), lambda i: (0, 0)),
        pl.BlockSpec((1, 1), lambda i: (0, 0)),
    ],
    out_shape=[
        jax.ShapeDtypeStruct((1, 1), jnp.float32),
        jax.ShapeDtypeStruct((1, 1), jnp.float32),
    ],
)


def kernel(Q, A, AT, b, c, x, y, Iy):
    sc_parts = _rel_kkt_sc(A, x.reshape(-1), b, Iy)
    tc_num, tc_bs = _tc_call(A, x.reshape(1, N), b.reshape(M, 1),
                             Iy.reshape(M, 1))
    num = jnp.sum(sc_parts[:, 0, :]) + tc_num[0, 0]
    bsum = jnp.sum(sc_parts[:, 1, :]) + tc_bs[0, 0]
    return num / (jnp.float32(1.0) + bsum)

# --- scband reference (transcript-rebuilt; emitter-appended) ---
"""Pipeline reference for scband-rel-kkt-l1-3582002725343 (READ-ONLY COPY).

The authoritative reference and input builder live on the scoring server;
editing this copy changes nothing except your own understanding.
"""

import jax, jax.numpy as jnp
import numpy as np

N = 4096
M = 4096

def setup_inputs(seed: int = 0) -> dict:
    key = jax.random.key(seed)
    ks = jax.random.split(key, 8)
    Q = jax.random.normal(ks[0], (N, N), dtype=jnp.float32)
    A = jax.random.normal(ks[1], (M, N), dtype=jnp.float32)
    AT = jax.random.normal(ks[2], (N, M), dtype=jnp.float32)
    b = jax.random.normal(ks[3], (M,), dtype=jnp.float32)
    c = jax.random.normal(ks[4], (N,), dtype=jnp.float32)
    x = jax.random.normal(ks[5], (N, 1), dtype=jnp.float32)
    y = jax.random.normal(ks[6], (M, 1), dtype=jnp.float32)
    Iy = jax.random.randint(ks[7], (M,), 0, 2).astype(jnp.float32)
    return {"Q": Q, "A": A, "AT": AT, "b": b, "c": c, "x": x, "y": y, "Iy": Iy}

def _proj_y(yv, indicator_y):
    if indicator_y.shape[-1] != 1:
        indicator_y = indicator_y[..., None]
    return yv + indicator_y * jax.nn.relu(-yv)

def reference(Q, A, AT, b, c, x, y, Iy):
    # r_primal_l1
    part_1 = jnp.matmul(A, x) - b[:, None]
    part_1 = _proj_y(part_1, Iy)
    part_1 = jnp.sum(jnp.abs(part_1))
    part_3 = 1.0 + jnp.sum(jnp.abs(b))
    t1 = part_1 / part_3
    # r_dual_l1 (computed in original forward, result unused)
    Qx = jnp.matmul(Q, x)
    ATy = jnp.matmul(AT, y)
    top = jnp.sum(jnp.abs(Qx + ATy + c[:, None]))
    bot = 10000.0 + jnp.sum(jnp.abs(c))
    t2 = top / bot
    # r_gap_l1 (computed in original forward, result unused)
    xt = jnp.transpose(x)
    qx = jnp.matmul(Q, x)
    quad_term = jnp.matmul(xt, qx)
    lin_term = jnp.matmul(c, x)
    vio_term = jnp.matmul(b, y)
    t3 = jnp.abs(quad_term + lin_term + vio_term)
    res = t1
    return res

if __name__ == "__main__":
    import jax
    _d = setup_inputs()
    print(jax.jit(kernel)(*tuple(_d.values())))

</pallas_src>

<mosaic_0001>
#map = affine_map<(d0, d1) -> (0, 0)>
#map1 = affine_map<(d0, d1) -> (0)>
#map2 = affine_map<(d0, d1) -> (0, 0, 0)>
module attributes {stable_mosaic.version = 14 : i64} {
  func.func @_rel_kkt_sc(%arg0: i32, %arg1: i32, %arg2: memref<4096x4096xf32, #tpu.memory_space<hbm>>, %arg3: memref<4096xf32, #tpu.memory_space<hbm>>, %arg4: memref<4096xf32, #tpu.memory_space<hbm>>, %arg5: memref<4096xf32, #tpu.memory_space<hbm>>, %arg6: memref<32x2x16xf32, #tpu.memory_space<hbm>>, %arg7: memref<4096xf32, #tpu.memory_space<vmem>>, %arg8: memref<48xf32, #tpu.memory_space<vmem>>, %arg9: memref<48xf32, #tpu.memory_space<vmem>>, %arg10: memref<2x8x4096xf32, #tpu.memory_space<vmem>>, %arg11: memref<16x16xf32, #tpu.memory_space<vmem>>, %arg12: memref<2x16xf32, #tpu.memory_space<vmem>>, %arg13: memref<!tpu.dma_semaphore, #tpu.memory_space<semaphore_mem>>, %arg14: memref<!tpu.dma_semaphore, #tpu.memory_space<semaphore_mem>>) attributes {dimension_semantics = [#tpu.dimension_semantics<core_parallel>, #tpu.dimension_semantics<subcore_parallel>], iteration_bounds = array<i64: 2, 16>, scalar_prefetch = 0 : i64, scratch_operands = 8 : i64, tpu.core_type = #tpu.core_type<sc_vector_subcore>, window_params = [{transform_indices = #map}, {transform_indices = #map1}, {transform_indices = #map1}, {transform_indices = #map1}, {transform_indices = #map2}]} {
    %mul3A = arith.constant 2 : i32
    %mul3A_0 = arith.muli %arg1, %mul3A : i32
    %add3A = arith.addi %mul3A_0, %arg0 : i32
    %mul3A_1 = arith.constant 48 : i32
    %mul3A_2 = arith.muli %add3A, %mul3A_1 : i32
    "tpu.region"() ({
      %run_scoped3A = tpu.sem_alloc : memref<!tpu.dma_semaphore, #tpu.memory_space<semaphore_mem>>
      tpu.enqueue_dma source(%arg3 : memref<4096xf32, #tpu.memory_space<hbm>>) target(%arg7 : memref<4096xf32, #tpu.memory_space<vmem>>) target_semaphore(%run_scoped3A : memref<!tpu.dma_semaphore, #tpu.memory_space<semaphore_mem>>)
      tpu.wait_dma2 semaphore(%run_scoped3A : memref<!tpu.dma_semaphore, #tpu.memory_space<semaphore_mem>>) src(%arg3 : memref<4096xf32, #tpu.memory_space<hbm>>) dst(%arg7 : memref<4096xf32, #tpu.memory_space<vmem>>)
      tpu.yield
    }) : () -> ()
    "tpu.region"() ({
      %run_scoped3A = tpu.sem_alloc : memref<!tpu.dma_semaphore, #tpu.memory_space<semaphore_mem>>
      %dma_start3A_55 = tpu.memref_slice %arg4[%mul3A_2] : memref<4096xf32, #tpu.memory_space<hbm>> -> memref<48xf32, #tpu.memory_space<hbm>>
      %dma_start3A_56 = tpu.memref_slice %arg4[%mul3A_2] : memref<4096xf32, #tpu.memory_space<hbm>> -> memref<48xf32, #tpu.memory_space<hbm>>
      tpu.enqueue_dma source(%dma_start3A_56 : memref<48xf32, #tpu.memory_space<hbm>>) target(%arg8 : memref<48xf32, #tpu.memory_space<vmem>>) target_semaphore(%run_scoped3A : memref<!tpu.dma_semaphore, #tpu.memory_space<semaphore_mem>>)
      %dma_wait3A = tpu.memref_slice %arg4[%mul3A_2] : memref<4096xf32, #tpu.memory_space<hbm>> -> memref<48xf32, #tpu.memory_space<hbm>>
      %dma_wait3A_57 = tpu.memref_slice %arg4[%mul3A_2] : memref<4096xf32, #tpu.memory_space<hbm>> -> memref<48xf32, #tpu.memory_space<hbm>>
      tpu.wait_dma2 semaphore(%run_scoped3A : memref<!tpu.dma_semaphore, #tpu.memory_space<semaphore_mem>>) src(%dma_wait3A_57 : memref<48xf32, #tpu.memory_space<hbm>>) dst(%arg8 : memref<48xf32, #tpu.memory_space<vmem>>)
      tpu.yield
    }) : () -> ()
    "tpu.region"() ({
      %run_scoped3A = tpu.sem_alloc : memref<!tpu.dma_semaphore, #tpu.memory_space<semaphore_mem>>
      %dma_start3A_55 = tpu.memref_slice %arg5[%mul3A_2] : memref<4096xf32, #tpu.memory_space<hbm>> -> memref<48xf32, #tpu.memory_space<hbm>>
      %dma_start3A_56 = tpu.memref_slice %arg5[%mul3A_2] : memref<4096xf32, #tpu.memory_space<hbm>> -> memref<48xf32, #tpu.memory_space<hbm>>
      tpu.enqueue_dma source(%dma_start3A_56 : memref<48xf32, #tpu.memory_space<hbm>>) target(%arg9 : memref<48xf32, #tpu.memory_space<vmem>>) target_semaphore(%run_scoped3A : memref<!tpu.dma_semaphore, #tpu.memory_space<semaphore_mem>>)
      %dma_wait3A = tpu.memref_slice %arg5[%mul3A_2] : memref<4096xf32, #tpu.memory_space<hbm>> -> memref<48xf32, #tpu.memory_space<hbm>>
      %dma_wait3A_57 = tpu.memref_slice %arg5[%mul3A_2] : memref<4096xf32, #tpu.memory_space<hbm>> -> memref<48xf32, #tpu.memory_space<hbm>>
      tpu.wait_dma2 semaphore(%run_scoped3A : memref<!tpu.dma_semaphore, #tpu.memory_space<semaphore_mem>>) src(%dma_wait3A_57 : memref<48xf32, #tpu.memory_space<hbm>>) dst(%arg9 : memref<48xf32, #tpu.memory_space<vmem>>)
      tpu.yield
    }) : () -> ()
    %add3A_3 = arith.constant 0 : i32
    %add3A_4 = arith.addi %mul3A_2, %add3A_3 : i32
    %dma_start3A = arith.constant 0 : i32
    %dma_start3A_5 = arith.constant 0 : i32
    %dma_start3A_6 = arith.constant 0 : i32
    %dma_start3A_7 = tpu.memref_slice %arg10[%dma_start3A, %dma_start3A_5, %dma_start3A_6] : memref<2x8x4096xf32, #tpu.memory_space<vmem>> -> memref<1x8x4096xf32, #tpu.memory_space<vmem>>
    %dma_start3A_8 = tpu.memref_squeeze %dma_start3A_7 : memref<1x8x4096xf32, #tpu.memory_space<vmem>> -> memref<8x4096xf32, #tpu.memory_space<vmem>>
    %dma_start3A_9 = arith.constant 0 : i32
    %dma_start3A_10 = tpu.memref_slice %arg2[%add3A_4, %dma_start3A_9] : memref<4096x4096xf32, #tpu.memory_space<hbm>> -> memref<8x4096xf32, #tpu.memory_space<hbm>>
    %dma_start3A_11 = arith.constant 0 : i32
    %dma_start3A_12 = arith.constant 0 : i32
    %dma_start3A_13 = tpu.memref_slice %arg10[%dma_start3A, %dma_start3A_11, %dma_start3A_12] : memref<2x8x4096xf32, #tpu.memory_space<vmem>> -> memref<1x8x4096xf32, #tpu.memory_space<vmem>>
    %dma_start3A_14 = tpu.memref_squeeze %dma_start3A_13 : memref<1x8x4096xf32, #tpu.memory_space<vmem>> -> memref<8x4096xf32, #tpu.memory_space<vmem>>
    %dma_start3A_15 = arith.constant 0 : i32
    %dma_start3A_16 = tpu.memref_slice %arg2[%add3A_4, %dma_start3A_15] : memref<4096x4096xf32, #tpu.memory_space<hbm>> -> memref<8x4096xf32, #tpu.memory_space<hbm>>
    tpu.enqueue_dma source(%dma_start3A_16 : memref<8x4096xf32, #tpu.memory_space<hbm>>) target(%dma_start3A_14 : memref<8x4096xf32, #tpu.memory_space<vmem>>) target_semaphore(%arg13 : memref<!tpu.dma_semaphore, #tpu.memory_space<semaphore_mem>>)
    %add3A_17 = arith.constant 8 : i32
    %add3A_18 = arith.addi %mul3A_2, %add3A_17 : i32
    %dma_start3A_19 = arith.constant 1 : i32
    %dma_start3A_20 = arith.constant 0 : i32
    %dma_start3A_21 = arith.constant 0 : i32
    %dma_start3A_22 = tpu.memref_slice %arg10[%dma_start3A_19, %dma_start3A_20, %dma_start3A_21] : memref<2x8x4096xf32, #tpu.memory_space<vmem>> -> memref<1x8x4096xf32, #tpu.memory_space<vmem>>
    %dma_start3A_23 = tpu.memref_squeeze %dma_start3A_22 : memref<1x8x4096xf32, #tpu.memory_space<vmem>> -> memref<8x4096xf32, #tpu.memory_space<vmem>>
    %dma_start3A_24 = arith.constant 0 : i32
    %dma_start3A_25 = tpu.memref_slice %arg2[%add3A_18, %dma_start3A_24] : memref<4096x4096xf32, #tpu.memory_space<hbm>> -> memref<8x4096xf32, #tpu.memory_space<hbm>>
    %dma_start3A_26 = arith.constant 0 : i32
    %dma_start3A_27 = arith.constant 0 : i32
    %dma_start3A_28 = tpu.memref_slice %arg10[%dma_start3A_19, %dma_start3A_26, %dma_start3A_27] : memref<2x8x4096xf32, #tpu.memory_space<vmem>> -> memref<1x8x4096xf32, #tpu.memory_space<vmem>>
    %dma_start3A_29 = tpu.memref_squeeze %dma_start3A_28 : memref<1x8x4096xf32, #tpu.memory_space<vmem>> -> memref<8x4096xf32, #tpu.memory_space<vmem>>
    %dma_start3A_30 = arith.constant 0 : i32
    %dma_start3A_31 = tpu.memref_slice %arg2[%add3A_18, %dma_start3A_30] : memref<4096x4096xf32, #tpu.memory_space<hbm>> -> memref<8x4096xf32, #tpu.memory_space<hbm>>
    tpu.enqueue_dma source(%dma_start3A_31 : memref<8x4096xf32, #tpu.memory_space<hbm>>) target(%dma_start3A_29 : memref<8x4096xf32, #tpu.memory_space<vmem>>) target_semaphore(%arg14 : memref<!tpu.dma_semaphore, #tpu.memory_space<semaphore_mem>>)
    %broadcast_in_dim3A = arith.constant 0.000000e+00 : f32
    %broadcast_in_dim3A_32 = vector.broadcast %broadcast_in_dim3A : f32 to vector<16xf32>
    %iota3A = tpu.iota {dimensions = array<i32: 0>} : vector<16xi32>
    %scan3A = arith.constant 0 : i32
    %scan3A_33 = arith.constant 3 : i32
    %scan3A_34 = arith.addi %scan3A, %scan3A_33 : i32
    %scan3A_35 = arith.constant 1 : i32
    %scan3A_36 = scf.for %scan3A_55 = %scan3A to %scan3A_34 step %scan3A_35 iter_args(%scan3A_56 = %broadcast_in_dim3A_32) -> (vector<16xf32>)  : i32 {
      %mul3A_57 = arith.constant 2 : i32
      %mul3A_58 = arith.muli %scan3A_55, %mul3A_57 : i32
      %add3A_59 = arith.constant 0 : i32
      %add3A_60 = arith.addi %add3A_59, %mul3A_58 : i32
      %add3A_61 = arith.constant 0 : i32
      %add3A_62 = arith.addi %add3A_60, %add3A_61 : i32
      %mul3A_63 = arith.constant 8 : i32
      %mul3A_64 = arith.muli %add3A_62, %mul3A_63 : i32
      %add3A_65 = arith.addi %mul3A_2, %mul3A_64 : i32
      %dma_wait3A = arith.constant 0 : i32
      %dma_wait3A_66 = arith.constant 0 : i32
      %dma_wait3A_67 = arith.constant 0 : i32
      %dma_wait3A_68 = tpu.memref_slice %arg10[%dma_wait3A, %dma_wait3A_66, %dma_wait3A_67] : memref<2x8x4096xf32, #tpu.memory_space<vmem>> -> memref<1x8x4096xf32, #tpu.memory_space<vmem>>
      %dma_wait3A_69 = tpu.memref_squeeze %dma_wait3A_68 : memref<1x8x4096xf32, #tpu.memory_space<vmem>> -> memref<8x4096xf32, #tpu.memory_space<vmem>>
      %dma_wait3A_70 = arith.constant 0 : i32
      %dma_wait3A_71 = tpu.memref_slice %arg2[%add3A_65, %dma_wait3A_70] : memref<4096x4096xf32, #tpu.memory_space<hbm>> -> memref<8x4096xf32, #tpu.memory_space<hbm>>
      %dma_wait3A_72 = arith.constant 0 : i32
      %dma_wait3A_73 = arith.constant 0 : i32
      %dma_wait3A_74 = tpu.memref_slice %arg10[%dma_wait3A, %dma_wait3A_72, %dma_wait3A_73] : memref<2x8x4096xf32, #tpu.memory_space<vmem>> -> memref<1x8x4096xf32, #tpu.memory_space<vmem>>
      %dma_wait3A_75 = tpu.memref_squeeze %dma_wait3A_74 : memref<1x8x4096xf32, #tpu.memory_space<vmem>> -> memref<8x4096xf32, #tpu.memory_space<vmem>>
      %dma_wait3A_76 = arith.constant 0 : i32
      %dma_wait3A_77 = tpu.memref_slice %arg2[%add3A_65, %dma_wait3A_76] : memref<4096x4096xf32, #tpu.memory_space<hbm>> -> memref<8x4096xf32, #tpu.memory_space<hbm>>
      tpu.wait_dma2 semaphore(%arg13 : memref<!tpu.dma_semaphore, #tpu.memory_space<semaphore_mem>>) src(%dma_wait3A_77 : memref<8x4096xf32, #tpu.memory_space<hbm>>) dst(%dma_wait3A_75 : memref<8x4096xf32, #tpu.memory_space<vmem>>)
      %scan3A_78 = arith.constant 0 : i32
      %scan3A_79 = arith.constant 0 : i32
      %scan3A_80 = arith.constant 256 : i32
      %scan3A_81 = arith.addi %scan3A_79, %scan3A_80 : i32
      %scan3A_82 = arith.constant 1 : i32
      %scan3A_83:8 = scf.for %scan3A_262 = %scan3A_79 to %scan3A_81 step %scan3A_82 iter_args(%scan3A_263 = %broadcast_in_dim3A_32, %scan3A_264 = %broadcast_in_dim3A_32, %scan3A_265 = %broadcast_in_dim3A_32, %scan3A_266 = %broadcast_in_dim3A_32, %scan3A_267 = %broadcast_in_dim3A_32, %scan3A_268 = %broadcast_in_dim3A_32, %scan3A_269 = %broadcast_in_dim3A_32, %scan3A_270 = %broadcast_in_dim3A_32) -> (vector<16xf32>, vector<16xf32>, vector<16xf32>, vector<16xf32>, vector<16xf32>, vector<16xf32>, vector<16xf32>, vector<16xf32>)  : i32 {
        %mul3A_271 = arith.constant 16 : i32
        %mul3A_272 = arith.muli %scan3A_262, %mul3A_271 : i32
        %get3A_273 = arith.index_cast %mul3A_272 : i32 to index
        %get3A_274 = tpu.vector_load %arg7[%get3A_273] {strides = array<i32>} : memref<4096xf32, #tpu.memory_space<vmem>>, vector<16xf32>,
        %mul3A_275 = arith.constant 16 : i32
        %mul3A_276 = arith.muli %scan3A_262, %mul3A_275 : i32
        %get3A_277 = arith.constant 0 : i32
        %get3A_278 = arith.constant 0 : i32
        %get3A_279 = arith.constant 0 : i32
        %get3A_280 = tpu.memref_slice %arg10[%scan3A_78, %get3A_278, %get3A_279] : memref<2x8x4096xf32, #tpu.memory_space<vmem>> -> memref<1x8x4096xf32, #tpu.memory_space<vmem>>
        %get3A_281 = tpu.memref_squeeze %get3A_280 : memref<1x8x4096xf32, #tpu.memory_space<vmem>> -> memref<8x4096xf32, #tpu.memory_space<vmem>>
        %get3A_282 = arith.index_cast %get3A_277 : i32 to index
        %get3A_283 = arith.index_cast %mul3A_276 : i32 to index
        %get3A_284 = tpu.vector_load %get3A_281[%get3A_282, %get3A_283] {strides = array<i32>} : memref<8x4096xf32, #tpu.memory_space<vmem>>, vector<16xf32>,
        %mul3A_285 = arith.mulf %get3A_284, %get3A_274 : vector<16xf32>
        %add3A_286 = arith.addf %scan3A_263, %mul3A_285 : vector<16xf32>
        %mul3A_287 = arith.constant 16 : i32
        %mul3A_288 = arith.muli %scan3A_262, %mul3A_287 : i32
        %get3A_289 = arith.constant 1 : i32
        %get3A_290 = arith.constant 0 : i32
        %get3A_291 = arith.constant 0 : i32
        %get3A_292 = tpu.memref_slice %arg10[%scan3A_78, %get3A_290, %get3A_291] : memref<2x8x4096xf32, #tpu.memory_space<vmem>> -> memref<1x8x4096xf32, #tpu.memory_space<vmem>>
        %get3A_293 = tpu.memref_squeeze %get3A_292 : memref<1x8x4096xf32, #tpu.memory_space<vmem>> -> memref<8x4096xf32, #tpu.memory_space<vmem>>
        %get3A_294 = arith.index_cast %get3A_289 : i32 to index
        %get3A_295 = arith.index_cast %mul3A_288 : i32 to index
        %get3A_296 = tpu.vector_load %get3A_293[%get3A_294, %get3A_295] {strides = array<i32>} : memref<8x4096xf32, #tpu.memory_space<vmem>>, vector<16xf32>,
        %mul3A_297 = arith.mulf %get3A_296, %get3A_274 : vector<16xf32>
        %add3A_298 = arith.addf %scan3A_264, %mul3A_297 : vector<16xf32>
        %mul3A_299 = arith.constant 16 : i32
        %mul3A_300 = arith.muli %scan3A_262, %mul3A_299 : i32
        %get3A_301 = arith.constant 2 : i32
        %get3A_302 = arith.constant 0 : i32
        %get3A_303 = arith.constant 0 : i32
        %get3A_304 = tpu.memref_slice %arg10[%scan3A_78, %get3A_302, %get3A_303] : memref<2x8x4096xf32, #tpu.memory_space<vmem>> -> memref<1x8x4096xf32, #tpu.memory_space<vmem>>
        %get3A_305 = tpu.memref_squeeze %get3A_304 : memref<1x8x4096xf32, #tpu.memory_space<vmem>> -> memref<8x4096xf32, #tpu.memory_space<vmem>>
        %get3A_306 = arith.index_cast %get3A_301 : i32 to index
        %get3A_307 = arith.index_cast %mul3A_300 : i32 to index
        %get3A_308 = tpu.vector_load %get3A_305[%get3A_306, %get3A_307] {strides = array<i32>} : memref<8x4096xf32, #tpu.memory_space<vmem>>, vector<16xf32>,
        %mul3A_309 = arith.mulf %get3A_308, %get3A_274 : vector<16xf32>
        %add3A_310 = arith.addf %scan3A_265, %mul3A_309 : vector<16xf32>
        %mul3A_311 = arith.constant 16 : i32
        %mul3A_312 = arith.muli %scan3A_262, %mul3A_311 : i32
        %get3A_313 = arith.constant 3 : i32
        %get3A_314 = arith.constant 0 : i32
        %get3A_315 = arith.constant 0 : i32
        %get3A_316 = tpu.memref_slice %arg10[%scan3A_78, %get3A_314, %get3A_315] : memref<2x8x4096xf32, #tpu.memory_space<vmem>> -> memref<1x8x4096xf32, #tpu.memory_space<vmem>>
        %get3A_317 = tpu.memref_squeeze %get3A_316 : memref<1x8x4096xf32, #tpu.memory_space<vmem>> -> memref<8x4096xf32, #tpu.memory_space<vmem>>
        %get3A_318 = arith.index_cast %get3A_313 : i32 to index
        %get3A_319 = arith.index_cast %mul3A_312 : i32 to index
        %get3A_320 = tpu.vector_load %get3A_317[%get3A_318, %get3A_319] {strides = array<i32>} : memref<8x4096xf32, #tpu.memory_space<vmem>>, vector<16xf32>,
        %mul3A_321 = arith.mulf %get3A_320, %get3A_274 : vector<16xf32>
        %add3A_322 = arith.addf %scan3A_266, %mul3A_321 : vector<16xf32>
        %mul3A_323 = arith.constant 16 : i32
        %mul3A_324 = arith.muli %scan3A_262, %mul3A_323 : i32
        %get3A_325 = arith.constant 4 : i32
        %get3A_326 = arith.constant 0 : i32
        %get3A_327 = arith.constant 0 : i32
        %get3A_328 = tpu.memref_slice %arg10[%scan3A_78, %get3A_326, %get3A_327] : memref<2x8x4096xf32, #tpu.memory_space<vmem>> -> memref<1x8x4096xf32, #tpu.memory_space<vmem>>
        %get3A_329 = tpu.memref_squeeze %get3A_328 : memref<1x8x4096xf32, #tpu.memory_space<vmem>> -> memref<8x4096xf32, #tpu.memory_space<vmem>>
        %get3A_330 = arith.index_cast %get3A_325 : i32 to index
        %get3A_331 = arith.index_cast %mul3A_324 : i32 to index
        %get3A_332 = tpu.vector_load %get3A_329[%get3A_330, %get3A_331] {strides = array<i32>} : memref<8x4096xf32, #tpu.memory_space<vmem>>, vector<16xf32>,
        %mul3A_333 = arith.mulf %get3A_332, %get3A_274 : vector<16xf32>
        %add3A_334 = arith.addf %scan3A_267, %mul3A_333 : vector<16xf32>
        %mul3A_335 = arith.constant 16 : i32
        %mul3A_336 = arith.muli %scan3A_262, %mul3A_335 : i32
        %get3A_337 = arith.constant 5 : i32
        %get3A_338 = arith.constant 0 : i32
        %get3A_339 = arith.constant 0 : i32
        %get3A_340 = tpu.memref_slice %arg10[%scan3A_78, %get3A_338, %get3A_339] : memref<2x8x4096xf32, #tpu.memory_space<vmem>> -> memref<1x8x4096xf32, #tpu.memory_space<vmem>>
        %get3A_341 = tpu.memref_squeeze %get3A_340 : memref<1x8x4096xf32, #tpu.memory_space<vmem>> -> memref<8x4096xf32, #tpu.memory_space<vmem>>
        %get3A_342 = arith.index_cast %get3A_337 : i32 to index
        %get3A_343 = arith.index_cast %mul3A_336 : i32 to index
        %get3A_344 = tpu.vector_load %get3A_341[%get3A_342, %get3A_343] {strides = array<i32>} : memref<8x4096xf32, #tpu.memory_space<vmem>>, vector<16xf32>,
        %mul3A_345 = arith.mulf %get3A_344, %get3A_274 : vector<16xf32>
        %add3A_346 = arith.addf %scan3A_268, %mul3A_345 : vector<16xf32>
        %mul3A_347 = arith.constant 16 : i32
        %mul3A_348 = arith.muli %scan3A_262, %mul3A_347 : i32
        %get3A_349 = arith.constant 6 : i32
        %get3A_350 = arith.constant 0 : i32
        %get3A_351 = arith.constant 0 : i32
        %get3A_352 = tpu.memref_slice %arg10[%scan3A_78, %get3A_350, %get3A_351] : memref<2x8x4096xf32, #tpu.memory_space<vmem>> -> memref<1x8x4096xf32, #tpu.memory_space<vmem>>
        %get3A_353 = tpu.memref_squeeze %get3A_352 : memref<1x8x4096xf32, #tpu.memory_space<vmem>> -> memref<8x4096xf32, #tpu.memory_space<vmem>>
        %get3A_354 = arith.index_cast %get3A_349 : i32 to index
        %get3A_355 = arith.index_cast %mul3A_348 : i32 to index
        %get3A_356 = tpu.vector_load %get3A_353[%get3A_354, %get3A_355] {strides = array<i32>} : memref<8x4096xf32, #tpu.memory_space<vmem>>, vector<16xf32>,
        %mul3A_357 = arith.mulf %get3A_356, %get3A_274 : vector<16xf32>
        %add3A_358 = arith.addf %scan3A_269, %mul3A_357 : vector<16xf32>
        %mul3A_359 = arith.constant 16 : i32
        %mul3A_360 = arith.muli %scan3A_262, %mul3A_359 : i32
        %get3A_361 = arith.constant 7 : i32
        %get3A_362 = arith.constant 0 : i32
        %get3A_363 = arith.constant 0 : i32
        %get3A_364 = tpu.memref_slice %arg10[%scan3A_78, %get3A_362, %get3A_363] : memref<2x8x4096xf32, #tpu.memory_space<vmem>> -> memref<1x8x4096xf32, #tpu.memory_space<vmem>>
        %get3A_365 = tpu.memref_squeeze %get3A_364 : memref<1x8x4096xf32, #tpu.memory_space<vmem>> -> memref<8x4096xf32, #tpu.memory_space<vmem>>
        %get3A_366 = arith.index_cast %get3A_361 : i32 to index
        %get3A_367 = arith.index_cast %mul3A_360 : i32 to index
        %get3A_368 = tpu.vector_load %get3A_365[%get3A_366, %get3A_367] {strides = array<i32>} : memref<8x4096xf32, #tpu.memory_space<vmem>>, vector<16xf32>,
        %mul3A_369 = arith.mulf %get3A_368, %get3A_274 : vector<16xf32>
        %add3A_370 = arith.addf %scan3A_270, %mul3A_369 : vector<16xf32>
        scf.yield %add3A_286, %add3A_298, %add3A_310, %add3A_322, %add3A_334, %add3A_346, %add3A_358, %add3A_370 : vector<16xf32>, vector<16xf32>, vector<16xf32>, vector<16xf32>, vector<16xf32>, vector<16xf32>, vector<16xf32>, vector<16xf32>
      }
      %scan3A_84 = arith.constant 256 : i32
      %swap3A_85 = arith.constant 0 : i32
      %swap3A_86 = arith.index_cast %swap3A_85 : i32 to index
      %swap3A_87 = arith.constant 0 : index
      %swap3A_88 = tpu.vector_load %arg11[%swap3A_86, %swap3A_87] {strides = array<i32>} : memref<16x16xf32, #tpu.memory_space<vmem>>, vector<16xf32>,
      tpu.vector_store %arg11[%swap3A_86, %swap3A_87], %scan3A_83#0 {strides = array<i32>} : memref<16x16xf32, #tpu.memory_space<vmem>>, vector<16xf32>,
      %swap3A_89 = arith.constant 1 : i32
      %swap3A_90 = arith.index_cast %swap3A_89 : i32 to index
      %swap3A_91 = arith.constant 0 : index
      %swap3A_92 = tpu.vector_load %arg11[%swap3A_90, %swap3A_91] {strides = array<i32>} : memref<16x16xf32, #tpu.memory_space<vmem>>, vector<16xf32>,
      tpu.vector_store %arg11[%swap3A_90, %swap3A_91], %scan3A_83#1 {strides = array<i32>} : memref<16x16xf32, #tpu.memory_space<vmem>>, vector<16xf32>,
      %swap3A_93 = arith.constant 2 : i32
      %swap3A_94 = arith.index_cast %swap3A_93 : i32 to index
      %swap3A_95 = arith.constant 0 : index
      %swap3A_96 = tpu.vector_load %arg11[%swap3A_94, %swap3A_95] {strides = array<i32>} : memref<16x16xf32, #tpu.memory_space<vmem>>, vector<16xf32>,
      tpu.vector_store %arg11[%swap3A_94, %swap3A_95], %scan3A_83#2 {strides = array<i32>} : memref<16x16xf32, #tpu.memory_space<vmem>>, vector<16xf32>,
      %swap3A_97 = arith.constant 3 : i32
      %swap3A_98 = arith.index_cast %swap3A_97 : i32 to index
      %swap3A_99 = arith.constant 0 : index
      %swap3A_100 = tpu.vector_load %arg11[%swap3A_98, %swap3A_99] {strides = array<i32>} : memref<16x16xf32, #tpu.memory_space<vmem>>, vector<16xf32>,
      tpu.vector_store %arg11[%swap3A_98, %swap3A_99], %scan3A_83#3 {strides = array<i32>} : memref<16x16xf32, #tpu.memory_space<vmem>>, vector<16xf32>,
      %swap3A_101 = arith.constant 4 : i32
      %swap3A_102 = arith.index_cast %swap3A_101 : i32 to index
      %swap3A_103 = arith.constant 0 : index
      %swap3A_104 = tpu.vector_load %arg11[%swap3A_102, %swap3A_103] {strides = array<i32>} : memref<16x16xf32, #tpu.memory_space<vmem>>, vector<16xf32>,
      tpu.vector_store %arg11[%swap3A_102, %swap3A_103], %scan3A_83#4 {strides = array<i32>} : memref<16x16xf32, #tpu.memory_space<vmem>>, vector<16xf32>,
      %swap3A_105 = arith.constant 5 : i32
      %swap3A_106 = arith.index_cast %swap3A_105 : i32 to index
      %swap3A_107 = arith.constant 0 : index
      %swap3A_108 = tpu.vector_load %arg11[%swap3A_106, %swap3A_107] {strides = array<i32>} : memref<16x16xf32, #tpu.memory_space<vmem>>, vector<16xf32>,
      tpu.vector_store %arg11[%swap3A_106, %swap3A_107], %scan3A_83#5 {strides = array<i32>} : memref<16x16xf32, #tpu.memory_space<vmem>>, vector<16xf32>,
      %swap3A_109 = arith.constant 6 : i32
      %swap3A_110 = arith.index_cast %swap3A_109 : i32 to index
      %swap3A_111 = arith.constant 0 : index
      %swap3A_112 = tpu.vector_load %arg11[%swap3A_110, %swap3A_111] {strides = array<i32>} : memref<16x16xf32, #tpu.memory_space<vmem>>, vector<16xf32>,
      tpu.vector_store %arg11[%swap3A_110, %swap3A_111], %scan3A_83#6 {strides = array<i32>} : memref<16x16xf32, #tpu.memory_space<vmem>>, vector<16xf32>,
      %swap3A_113 = arith.constant 7 : i32
      %swap3A_114 = arith.index_cast %swap3A_113 : i32 to index
      %swap3A_115 = arith.constant 0 : index
      %swap3A_116 = tpu.vector_load %arg11[%swap3A_114, %swap3A_115] {strides = array<i32>} : memref<16x16xf32, #tpu.memory_space<vmem>>, vector<16xf32>,
      tpu.vector_store %arg11[%swap3A_114, %swap3A_115], %scan3A_83#7 {strides = array<i32>} : memref<16x16xf32, #tpu.memory_space<vmem>>, vector<16xf32>,
      %add3A_117 = arith.constant 2 : i32
      %add3A_118 = arith.addi %add3A_62, %add3A_117 : i32
      %lt3A = arith.constant 6 : i32
      %lt3A_119 = arith.cmpi slt, %add3A_118, %lt3A : i32
      %convert_element_type3A = arith.extui %lt3A_119 : i1 to i32
      %cond3A = arith.constant 0 : i32
      %cond3A_120 = arith.cmpi ne, %convert_element_type3A, %cond3A : i32
      scf.if %cond3A_120 {
        %add3A_262 = arith.constant 2 : i32
        %add3A_263 = arith.addi %add3A_62, %add3A_262 : i32
        %mul3A_264 = arith.constant 8 : i32
        %mul3A_265 = arith.muli %add3A_263, %mul3A_264 : i32
        %add3A_266 = arith.addi %mul3A_2, %mul3A_265 : i32
        %dma_start3A_267 = arith.constant 0 : i32
        %dma_start3A_268 = arith.constant 0 : i32
        %dma_start3A_269 = arith.constant 0 : i32
        %dma_start3A_270 = tpu.memref_slice %arg10[%dma_start3A_267, %dma_start3A_268, %dma_start3A_269] : memref<2x8x4096xf32, #tpu.memory_space<vmem>> -> memref<1x8x4096xf32, #tpu.memory_space<vmem>>
        %dma_start3A_271 = tpu.memref_squeeze %dma_start3A_270 : memref<1x8x4096xf32, #tpu.memory_space<vmem>> -> memref<8x4096xf32, #tpu.memory_space<vmem>>
        %dma_start3A_272 = arith.constant 0 : i32
        %dma_start3A_273 = tpu.memref_slice %arg2[%add3A_266, %dma_start3A_272] : memref<4096x4096xf32, #tpu.memory_space<hbm>> -> memref<8x4096xf32, #tpu.memory_space<hbm>>
        %dma_start3A_274 = arith.constant 0 : i32
        %dma_start3A_275 = arith.constant 0 : i32
        %dma_start3A_276 = tpu.memref_slice %arg10[%dma_start3A_267, %dma_start3A_274, %dma_start3A_275] : memref<2x8x4096xf32, #tpu.memory_space<vmem>> -> memref<1x8x4096xf32, #tpu.memory_space<vmem>>
        %dma_start3A_277 = tpu.memref_squeeze %dma_start3A_276 : memref<1x8x4096xf32, #tpu.memory_space<vmem>> -> memref<8x4096xf32, #tpu.memory_space<vmem>>
        %dma_start3A_278 = arith.constant 0 : i32
        %dma_start3A_279 = tpu.memref_slice %arg2[%add3A_266, %dma_start3A_278] : memref<4096x4096xf32, #tpu.memory_space<hbm>> -> memref<8x4096xf32, #tpu.memory_space<hbm>>
        tpu.enqueue_dma source(%dma_start3A_279 : memref<8x4096xf32, #tpu.memory_space<hbm>>) target(%dma_start3A_277 : memref<8x4096xf32, #tpu.memory_space<vmem>>) target_semaphore(%arg13 : memref<!tpu.dma_semaphore, #tpu.memory_space<semaphore_mem>>)
      } else {
      }
      %add3A_121 = arith.constant 1 : i32
      %add3A_122 = arith.addi %add3A_60, %add3A_121 : i32
      %mul3A_123 = arith.constant 8 : i32
      %mul3A_124 = arith.muli %add3A_122, %mul3A_123 : i32
      %add3A_125 = arith.addi %mul3A_2, %mul3A_124 : i32
      %dma_wait3A_126 = arith.constant 1 : i32
      %dma_wait3A_127 = arith.constant 0 : i32
      %dma_wait3A_128 = arith.constant 0 : i32
      %dma_wait3A_129 = tpu.memref_slice %arg10[%dma_wait3A_126, %dma_wait3A_127, %dma_wait3A_128] : memref<2x8x4096xf32, #tpu.memory_space<vmem>> -> memref<1x8x4096xf32, #tpu.memory_space<vmem>>
      %dma_wait3A_130 = tpu.memref_squeeze %dma_wait3A_129 : memref<1x8x4096xf32, #tpu.memory_space<vmem>> -> memref<8x4096xf32, #tpu.memory_space<vmem>>
      %dma_wait3A_131 = arith.constant 0 : i32
      %dma_wait3A_132 = tpu.memref_slice %arg2[%add3A_125, %dma_wait3A_131] : memref<4096x4096xf32, #tpu.memory_space<hbm>> -> memref<8x4096xf32, #tpu.memory_space<hbm>>
      %dma_wait3A_133 = arith.constant 0 : i32
      %dma_wait3A_134 = arith.constant 0 : i32
      %dma_wait3A_135 = tpu.memref_slice %arg10[%dma_wait3A_126, %dma_wait3A_133, %dma_wait3A_134] : memref<2x8x4096xf32, #tpu.memory_space<vmem>> -> memref<1x8x4096xf32, #tpu.memory_space<vmem>>
      %dma_wait3A_136 = tpu.memref_squeeze %dma_wait3A_135 : memref<1x8x4096xf32, #tpu.memory_space<vmem>> -> memref<8x4096xf32, #tpu.memory_space<vmem>>
      %dma_wait3A_137 = arith.constant 0 : i32
      %dma_wait3A_138 = tpu.memref_slice %arg2[%add3A_125, %dma_wait3A_137] : memref<4096x4096xf32, #tpu.memory_space<hbm>> -> memref<8x4096xf32, #tpu.memory_space<hbm>>
      tpu.wait_dma2 semaphore(%arg14 : memref<!tpu.dma_semaphore, #tpu.memory_space<semaphore_mem>>) src(%dma_wait3A_138 : memref<8x4096xf32, #tpu.memory_space<hbm>>) dst(%dma_wait3A_136 : memref<8x4096xf32, #tpu.memory_space<vmem>>)
      %scan3A_139 = arith.constant 1 : i32
      %scan3A_140 = arith.constant 0 : i32
      %scan3A_141 = arith.constant 256 : i32
      %scan3A_142 = arith.addi %scan3A_140, %scan3A_141 : i32
      %scan3A_143 = arith.constant 1 : i32
      %scan3A_144:8 = scf.for %scan3A_262 = %scan3A_140 to %scan3A_142 step %scan3A_143 iter_args(%scan3A_263 = %broadcast_in_dim3A_32, %scan3A_264 = %broadcast_in_dim3A_32, %scan3A_265 = %broadcast_in_dim3A_32, %scan3A_266 = %broadcast_in_dim3A_32, %scan3A_267 = %broadcast_in_dim3A_32, %scan3A_268 = %broadcast_in_dim3A_32, %scan3A_269 = %broadcast_in_dim3A_32, %scan3A_270 = %broadcast_in_dim3A_32) -> (vector<16xf32>, vector<16xf32>, vector<16xf32>, vector<16xf32>, vector<16xf32>, vector<16xf32>, vector<16xf32>, vector<16xf32>)  : i32 {
        %mul3A_271 = arith.constant 16 : i32
        %mul3A_272 = arith.muli %scan3A_262, %mul3A_271 : i32
        %get3A_273 = arith.index_cast %mul3A_272 : i32 to index
        %get3A_274 = tpu.vector_load %arg7[%get3A_273] {strides = array<i32>} : memref<4096xf32, #tpu.memory_space<vmem>>, vector<16xf32>,
        %mul3A_275 = arith.constant 16 : i32
        %mul3A_276 = arith.muli %scan3A_262, %mul3A_275 : i32
        %get3A_277 = arith.constant 0 : i32
        %get3A_278 = arith.constant 0 : i32
        %get3A_279 = arith.constant 0 : i32
        %get3A_280 = tpu.memref_slice %arg10[%scan3A_139, %get3A_278, %get3A_279] : memref<2x8x4096xf32, #tpu.memory_space<vmem>> -> memref<1x8x4096xf32, #tpu.memory_space<vmem>>
        %get3A_281 = tpu.memref_squeeze %get3A_280 : memref<1x8x4096xf32, #tpu.memory_space<vmem>> -> memref<8x4096xf32, #tpu.memory_space<vmem>>
        %get3A_282 = arith.index_cast %get3A_277 : i32 to index
        %get3A_283 = arith.index_cast %mul3A_276 : i32 to index
        %get3A_284 = tpu.vector_load %get3A_281[%get3A_282, %get3A_283] {strides = array<i32>} : memref<8x4096xf32, #tpu.memory_space<vmem>>, vector<16xf32>,
        %mul3A_285 = arith.mulf %get3A_284, %get3A_274 : vector<16xf32>
        %add3A_286 = arith.addf %scan3A_263, %mul3A_285 : vector<16xf32>
        %mul3A_287 = arith.constant 16 : i32
        %mul3A_288 = arith.muli %scan3A_262, %mul3A_287 : i32
        %get3A_289 = arith.constant 1 : i32
        %get3A_290 = arith.constant 0 : i32
        %get3A_291 = arith.constant 0 : i32
        %get3A_292 = tpu.memref_slice %arg10[%scan3A_139, %get3A_290, %get3A_291] : memref<2x8x4096xf32, #tpu.memory_space<vmem>> -> memref<1x8x4096xf32, #tpu.memory_space<vmem>>
        %get3A_293 = tpu.memref_squeeze %get3A_292 : memref<1x8x4096xf32, #tpu.memory_space<vmem>> -> memref<8x4096xf32, #tpu.memory_space<vmem>>
        %get3A_294 = arith.index_cast %get3A_289 : i32 to index
        %get3A_295 = arith.index_cast %mul3A_288 : i32 to index
        %get3A_296 = tpu.vector_load %get3A_293[%get3A_294, %get3A_295] {strides = array<i32>} : memref<8x4096xf32, #tpu.memory_space<vmem>>, vector<16xf32>,
        %mul3A_297 = arith.mulf %get3A_296, %get3A_274 : vector<16xf32>
        %add3A_298 = arith.addf %scan3A_264, %mul3A_297 : vector<16xf32>
        %mul3A_299 = arith.constant 16 : i32
        %mul3A_300 = arith.muli %scan3A_262, %mul3A_299 : i32
        %get3A_301 = arith.constant 2 : i32
        %get3A_302 = arith.constant 0 : i32
        %get3A_303 = arith.constant 0 : i32
        %get3A_304 = tpu.memref_slice %arg10[%scan3A_139, %get3A_302, %get3A_303] : memref<2x8x4096xf32, #tpu.memory_space<vmem>> -> memref<1x8x4096xf32, #tpu.memory_space<vmem>>
        %get3A_305 = tpu.memref_squeeze %get3A_304 : memref<1x8x4096xf32, #tpu.memory_space<vmem>> -> memref<8x4096xf32, #tpu.memory_space<vmem>>
        %get3A_306 = arith.index_cast %get3A_301 : i32 to index
        %get3A_307 = arith.index_cast %mul3A_300 : i32 to index
        %get3A_308 = tpu.vector_load %get3A_305[%get3A_306, %get3A_307] {strides = array<i32>} : memref<8x4096xf32, #tpu.memory_space<vmem>>, vector<16xf32>,
        %mul3A_309 = arith.mulf %get3A_308, %get3A_274 : vector<16xf32>
        %add3A_310 = arith.addf %scan3A_265, %mul3A_309 : vector<16xf32>
        %mul3A_311 = arith.constant 16 : i32
        %mul3A_312 = arith.muli %scan3A_262, %mul3A_311 : i32
        %get3A_313 = arith.constant 3 : i32
        %get3A_314 = arith.constant 0 : i32
        %get3A_315 = arith.constant 0 : i32
        %get3A_316 = tpu.memref_slice %arg10[%scan3A_139, %get3A_314, %get3A_315] : memref<2x8x4096xf32, #tpu.memory_space<vmem>> -> memref<1x8x4096xf32, #tpu.memory_space<vmem>>
        %get3A_317 = tpu.memref_squeeze %get3A_316 : memref<1x8x4096xf32, #tpu.memory_space<vmem>> -> memref<8x4096xf32, #tpu.memory_space<vmem>>
        %get3A_318 = arith.index_cast %get3A_313 : i32 to index
        %get3A_319 = arith.index_cast %mul3A_312 : i32 to index
        %get3A_320 = tpu.vector_load %get3A_317[%get3A_318, %get3A_319] {strides = array<i32>} : memref<8x4096xf32, #tpu.memory_space<vmem>>, vector<16xf32>,
        %mul3A_321 = arith.mulf %get3A_320, %get3A_274 : vector<16xf32>
        %add3A_322 = arith.addf %scan3A_266, %mul3A_321 : vector<16xf32>
        %mul3A_323 = arith.constant 16 : i32
        %mul3A_324 = arith.muli %scan3A_262, %mul3A_323 : i32
        %get3A_325 = arith.constant 4 : i32
        %get3A_326 = arith.constant 0 : i32
        %get3A_327 = arith.constant 0 : i32
        %get3A_328 = tpu.memref_slice %arg10[%scan3A_139, %get3A_326, %get3A_327] : memref<2x8x4096xf32, #tpu.memory_space<vmem>> -> memref<1x8x4096xf32, #tpu.memory_space<vmem>>
        %get3A_329 = tpu.memref_squeeze %get3A_328 : memref<1x8x4096xf32, #tpu.memory_space<vmem>> -> memref<8x4096xf32, #tpu.memory_space<vmem>>
        %get3A_330 = arith.index_cast %get3A_325 : i32 to index
        %get3A_331 = arith.index_cast %mul3A_324 : i32 to index
        %get3A_332 = tpu.vector_load %get3A_329[%get3A_330, %get3A_331] {strides = array<i32>} : memref<8x4096xf32, #tpu.memory_space<vmem>>, vector<16xf32>,
        %mul3A_333 = arith.mulf %get3A_332, %get3A_274 : vector<16xf32>
        %add3A_334 = arith.addf %scan3A_267, %mul3A_333 : vector<16xf32>
        %mul3A_335 = arith.constant 16 : i32
        %mul3A_336 = arith.muli %scan3A_262, %mul3A_335 : i32
        %get3A_337 = arith.constant 5 : i32
        %get3A_338 = arith.constant 0 : i32
        %get3A_339 = arith.constant 0 : i32
        %get3A_340 = tpu.memref_slice %arg10[%scan3A_139, %get3A_338, %get3A_339] : memref<2x8x4096xf32, #tpu.memory_space<vmem>> -> memref<1x8x4096xf32, #tpu.memory_space<vmem>>
        %get3A_341 = tpu.memref_squeeze %get3A_340 : memref<1x8x4096xf32, #tpu.memory_space<vmem>> -> memref<8x4096xf32, #tpu.memory_space<vmem>>
        %get3A_342 = arith.index_cast %get3A_337 : i32 to index
        %get3A_343 = arith.index_cast %mul3A_336 : i32 to index
        %get3A_344 = tpu.vector_load %get3A_341[%get3A_342, %get3A_343] {strides = array<i32>} : memref<8x4096xf32, #tpu.memory_space<vmem>>, vector<16xf32>,
        %mul3A_345 = arith.mulf %get3A_344, %get3A_274 : vector<16xf32>
        %add3A_346 = arith.addf %scan3A_268, %mul3A_345 : vector<16xf32>
        %mul3A_347 = arith.constant 16 : i32
        %mul3A_348 = arith.muli %scan3A_262, %mul3A_347 : i32
        %get3A_349 = arith.constant 6 : i32
        %get3A_350 = arith.constant 0 : i32
        %get3A_351 = arith.constant 0 : i32
        %get3A_352 = tpu.memref_slice %arg10[%scan3A_139, %get3A_350, %get3A_351] : memref<2x8x4096xf32, #tpu.memory_space<vmem>> -> memref<1x8x4096xf32, #tpu.memory_space<vmem>>
        %get3A_353 = tpu.memref_squeeze %get3A_352 : memref<1x8x4096xf32, #tpu.memory_space<vmem>> -> memref<8x4096xf32, #tpu.memory_space<vmem>>
        %get3A_354 = arith.index_cast %get3A_349 : i32 to index
        %get3A_355 = arith.index_cast %mul3A_348 : i32 to index
        %get3A_356 = tpu.vector_load %get3A_353[%get3A_354, %get3A_355] {strides = array<i32>} : memref<8x4096xf32, #tpu.memory_space<vmem>>, vector<16xf32>,
        %mul3A_357 = arith.mulf %get3A_356, %get3A_274 : vector<16xf32>
        %add3A_358 = arith.addf %scan3A_269, %mul3A_357 : vector<16xf32>
        %mul3A_359 = arith.constant 16 : i32
        %mul3A_360 = arith.muli %scan3A_262, %mul3A_359 : i32
        %get3A_361 = arith.constant 7 : i32
        %get3A_362 = arith.constant 0 : i32
        %get3A_363 = arith.constant 0 : i32
        %get3A_364 = tpu.memref_slice %arg10[%scan3A_139, %get3A_362, %get3A_363] : memref<2x8x4096xf32, #tpu.memory_space<vmem>> -> memref<1x8x4096xf32, #tpu.memory_space<vmem>>
        %get3A_365 = tpu.memref_squeeze %get3A_364 : memref<1x8x4096xf32, #tpu.memory_space<vmem>> -> memref<8x4096xf32, #tpu.memory_space<vmem>>
        %get3A_366 = arith.index_cast %get3A_361 : i32 to index
        %get3A_367 = arith.index_cast %mul3A_360 : i32 to index
        %get3A_368 = tpu.vector_load %get3A_365[%get3A_366, %get3A_367] {strides = array<i32>} : memref<8x4096xf32, #tpu.memory_space<vmem>>, vector<16xf32>,
        %mul3A_369 = arith.mulf %get3A_368, %get3A_274 : vector<16xf32>
        %add3A_370 = arith.addf %scan3A_270, %mul3A_369 : vector<16xf32>
        scf.yield %add3A_286, %add3A_298, %add3A_310, %add3A_322, %add3A_334, %add3A_346, %add3A_358, %add3A_370 : vector<16xf32>, vector<16xf32>, vector<16xf32>, vector<16xf32>, vector<16xf32>, vector<16xf32>, vector<16xf32>, vector<16xf32>
      }
      %scan3A_145 = arith.constant 256 : i32
      %swap3A_146 = arith.constant 8 : i32
      %swap3A_147 = arith.index_cast %swap3A_146 : i32 to index
      %swap3A_148 = arith.constant 0 : index
      %swap3A_149 = tpu.vector_load %arg11[%swap3A_147, %swap3A_148] {strides = array<i32>} : memref<16x16xf32, #tpu.memory_space<vmem>>, vector<16xf32>,
      tpu.vector_store %arg11[%swap3A_147, %swap3A_148], %scan3A_144#0 {strides = array<i32>} : memref<16x16xf32, #tpu.memory_space<vmem>>, vector<16xf32>,
      %swap3A_150 = arith.constant 9 : i32
      %swap3A_151 = arith.index_cast %swap3A_150 : i32 to index
      %swap3A_152 = arith.constant 0 : index
      %swap3A_153 = tpu.vector_load %arg11[%swap3A_151, %swap3A_152] {strides = array<i32>} : memref<16x16xf32, #tpu.memory_space<vmem>>, vector<16xf32>,
      tpu.vector_store %arg11[%swap3A_151, %swap3A_152], %scan3A_144#1 {strides = array<i32>} : memref<16x16xf32, #tpu.memory_space<vmem>>, vector<16xf32>,
      %swap3A_154 = arith.constant 10 : i32
      %swap3A_155 = arith.index_cast %swap3A_154 : i32 to index
      %swap3A_156 = arith.constant 0 : index
      %swap3A_157 = tpu.vector_load %arg11[%swap3A_155, %swap3A_156] {strides = array<i32>} : memref<16x16xf32, #tpu.memory_space<vmem>>, vector<16xf32>,
      tpu.vector_store %arg11[%swap3A_155, %swap3A_156], %scan3A_144#2 {strides = array<i32>} : memref<16x16xf32, #tpu.memory_space<vmem>>, vector<16xf32>,
      %swap3A_158 = arith.constant 11 : i32
      %swap3A_159 = arith.index_cast %swap3A_158 : i32 to index
      %swap3A_160 = arith.constant 0 : index
      %swap3A_161 = tpu.vector_load %arg11[%swap3A_159, %swap3A_160] {strides = array<i32>} : memref<16x16xf32, #tpu.memory_space<vmem>>, vector<16xf32>,
      tpu.vector_store %arg11[%swap3A_159, %swap3A_160], %scan3A_144#3 {strides = array<i32>} : memref<16x16xf32, #tpu.memory_space<vmem>>, vector<16xf32>,
      %swap3A_162 = arith.constant 12 : i32
      %swap3A_163 = arith.index_cast %swap3A_162 : i32 to index
      %swap3A_164 = arith.constant 0 : index
      %swap3A_165 = tpu.vector_load %arg11[%swap3A_163, %swap3A_164] {strides = array<i32>} : memref<16x16xf32, #tpu.memory_space<vmem>>, vector<16xf32>,
      tpu.vector_store %arg11[%swap3A_163, %swap3A_164], %scan3A_144#4 {strides = array<i32>} : memref<16x16xf32, #tpu.memory_space<vmem>>, vector<16xf32>,
      %swap3A_166 = arith.constant 13 : i32
      %swap3A_167 = arith.index_cast %swap3A_166 : i32 to index
      %swap3A_168 = arith.constant 0 : index
      %swap3A_169 = tpu.vector_load %arg11[%swap3A_167, %swap3A_168] {strides = array<i32>} : memref<16x16xf32, #tpu.memory_space<vmem>>, vector<16xf32>,
      tpu.vector_store %arg11[%swap3A_167, %swap3A_168], %scan3A_144#5 {strides = array<i32>} : memref<16x16xf32, #tpu.memory_space<vmem>>, vector<16xf32>,
      %swap3A_170 = arith.constant 14 : i32
      %swap3A_171 = arith.index_cast %swap3A_170 : i32 to index
      %swap3A_172 = arith.constant 0 : index
      %swap3A_173 = tpu.vector_load %arg11[%swap3A_171, %swap3A_172] {strides = array<i32>} : memref<16x16xf32, #tpu.memory_space<vmem>>, vector<16xf32>,
      tpu.vector_store %arg11[%swap3A_171, %swap3A_172], %scan3A_144#6 {strides = array<i32>} : memref<16x16xf32, #tpu.memory_space<vmem>>, vector<16xf32>,
      %swap3A_174 = arith.constant 15 : i32
      %swap3A_175 = arith.index_cast %swap3A_174 : i32 to index
      %swap3A_176 = arith.constant 0 : index
      %swap3A_177 = tpu.vector_load %arg11[%swap3A_175, %swap3A_176] {strides = array<i32>} : memref<16x16xf32, #tpu.memory_space<vmem>>, vector<16xf32>,
      tpu.vector_store %arg11[%swap3A_175, %swap3A_176], %scan3A_144#7 {strides = array<i32>} : memref<16x16xf32, #tpu.memory_space<vmem>>, vector<16xf32>,
      %add3A_178 = arith.constant 2 : i32
      %add3A_179 = arith.addi %add3A_122, %add3A_178 : i32
      %lt3A_180 = arith.constant 6 : i32
      %lt3A_181 = arith.cmpi slt, %add3A_179, %lt3A_180 : i32
      %convert_element_type3A_182 = arith.extui %lt3A_181 : i1 to i32
      %cond3A_183 = arith.constant 0 : i32
      %cond3A_184 = arith.cmpi ne, %convert_element_type3A_182, %cond3A_183 : i32
      scf.if %cond3A_184 {
        %add3A_262 = arith.constant 2 : i32
        %add3A_263 = arith.addi %add3A_122, %add3A_262 : i32
        %mul3A_264 = arith.constant 8 : i32
        %mul3A_265 = arith.muli %add3A_263, %mul3A_264 : i32
        %add3A_266 = arith.addi %mul3A_2, %mul3A_265 : i32
        %dma_start3A_267 = arith.constant 1 : i32
        %dma_start3A_268 = arith.constant 0 : i32
        %dma_start3A_269 = arith.constant 0 : i32
        %dma_start3A_270 = tpu.memref_slice %arg10[%dma_start3A_267, %dma_start3A_268, %dma_start3A_269] : memref<2x8x4096xf32, #tpu.memory_space<vmem>> -> memref<1x8x4096xf32, #tpu.memory_space<vmem>>
        %dma_start3A_271 = tpu.memref_squeeze %dma_start3A_270 : memref<1x8x4096xf32, #tpu.memory_space<vmem>> -> memref<8x4096xf32, #tpu.memory_space<vmem>>
        %dma_start3A_272 = arith.constant 0 : i32
        %dma_start3A_273 = tpu.memref_slice %arg2[%add3A_266, %dma_start3A_272] : memref<4096x4096xf32, #tpu.memory_space<hbm>> -> memref<8x4096xf32, #tpu.memory_space<hbm>>
        %dma_start3A_274 = arith.constant 0 : i32
        %dma_start3A_275 = arith.constant 0 : i32
        %dma_start3A_276 = tpu.memref_slice %arg10[%dma_start3A_267, %dma_start3A_274, %dma_start3A_275] : memref<2x8x4096xf32, #tpu.memory_space<vmem>> -> memref<1x8x4096xf32, #tpu.memory_space<vmem>>
        %dma_start3A_277 = tpu.memref_squeeze %dma_start3A_276 : memref<1x8x4096xf32, #tpu.memory_space<vmem>> -> memref<8x4096xf32, #tpu.memory_space<vmem>>
        %dma_start3A_278 = arith.constant 0 : i32
        %dma_start3A_279 = tpu.memref_slice %arg2[%add3A_266, %dma_start3A_278] : memref<4096x4096xf32, #tpu.memory_space<hbm>> -> memref<8x4096xf32, #tpu.memory_space<hbm>>
        tpu.enqueue_dma source(%dma_start3A_279 : memref<8x4096xf32, #tpu.memory_space<hbm>>) target(%dma_start3A_277 : memref<8x4096xf32, #tpu.memory_space<vmem>>) target_semaphore(%arg14 : memref<!tpu.dma_semaphore, #tpu.memory_space<semaphore_mem>>)
      } else {
      }
      %broadcast_in_dim3A_185 = arith.constant 0 : i32
      %broadcast_in_dim3A_186 = vector.broadcast %broadcast_in_dim3A_185 : i32 to vector<16xi32>
      %gather3A = tpu.vector_load_idx %arg11[%iota3A, %broadcast_in_dim3A_186] : memref<16x16xf32, #tpu.memory_space<vmem>>[vector<16xi32>, vector<16xi32>], vector<16xf32>,
      %add3A_187 = arith.addf %broadcast_in_dim3A_32, %gather3A : vector<16xf32>
      %broadcast_in_dim3A_188 = arith.constant 1 : i32
      %broadcast_in_dim3A_189 = vector.broadcast %broadcast_in_dim3A_188 : i32 to vector<16xi32>
      %gather3A_190 = tpu.vector_load_idx %arg11[%iota3A, %broadcast_in_dim3A_189] : memref<16x16xf32, #tpu.memory_space<vmem>>[vector<16xi32>, vector<16xi32>], vector<16xf32>,
      %add3A_191 = arith.addf %add3A_187, %gather3A_190 : vector<16xf32>
      %broadcast_in_dim3A_192 = arith.constant 2 : i32
      %broadcast_in_dim3A_193 = vector.broadcast %broadcast_in_dim3A_192 : i32 to vector<16xi32>
      %gather3A_194 = tpu.vector_load_idx %arg11[%iota3A, %broadcast_in_dim3A_193] : memref<16x16xf32, #tpu.memory_space<vmem>>[vector<16xi32>, vector<16xi32>], vector<16xf32>,
      %add3A_195 = arith.addf %add3A_191, %gather3A_194 : vector<16xf32>
      %broadcast_in_dim3A_196 = arith.constant 3 : i32
      %broadcast_in_dim3A_197 = vector.broadcast %broadcast_in_dim3A_196 : i32 to vector<16xi32>
      %gather3A_198 = tpu.vector_load_idx %arg11[%iota3A, %broadcast_in_dim3A_197] : memref<16x16xf32, #tpu.memory_space<vmem>>[vector<16xi32>, vector<16xi32>], vector<16xf32>,
      %add3A_199 = arith.addf %add3A_195, %gather3A_198 : vector<16xf32>
      %broadcast_in_dim3A_200 = arith.constant 4 : i32
      %broadcast_in_dim3A_201 = vector.broadcast %broadcast_in_dim3A_200 : i32 to vector<16xi32>
      %gather3A_202 = tpu.vector_load_idx %arg11[%iota3A, %broadcast_in_dim3A_201] : memref<16x16xf32, #tpu.memory_space<vmem>>[vector<16xi32>, vector<16xi32>], vector<16xf32>,
      %add3A_203 = arith.addf %add3A_199, %gather3A_202 : vector<16xf32>
      %broadcast_in_dim3A_204 = arith.constant 5 : i32
      %broadcast_in_dim3A_205 = vector.broadcast %broadcast_in_dim3A_204 : i32 to vector<16xi32>
      %gather3A_206 = tpu.vector_load_idx %arg11[%iota3A, %broadcast_in_dim3A_205] : memref<16x16xf32, #tpu.memory_space<vmem>>[vector<16xi32>, vector<16xi32>], vector<16xf32>,
      %add3A_207 = arith.addf %add3A_203, %gather3A_206 : vector<16xf32>
      %broadcast_in_dim3A_208 = arith.constant 6 : i32
      %broadcast_in_dim3A_209 = vector.broadcast %broadcast_in_dim3A_208 : i32 to vector<16xi32>
      %gather3A_210 = tpu.vector_load_idx %arg11[%iota3A, %broadcast_in_dim3A_209] : memref<16x16xf32, #tpu.memory_space<vmem>>[vector<16xi32>, vector<16xi32>], vector<16xf32>,
      %add3A_211 = arith.addf %add3A_207, %gather3A_210 : vector<16xf32>
      %broadcast_in_dim3A_212 = arith.constant 7 : i32
      %broadcast_in_dim3A_213 = vector.broadcast %broadcast_in_dim3A_212 : i32 to vector<16xi32>
      %gather3A_214 = tpu.vector_load_idx %arg11[%iota3A, %broadcast_in_dim3A_213] : memref<16x16xf32, #tpu.memory_space<vmem>>[vector<16xi32>, vector<16xi32>], vector<16xf32>,
      %add3A_215 = arith.addf %add3A_211, %gather3A_214 : vector<16xf32>
      %broadcast_in_dim3A_216 = arith.constant 8 : i32
      %broadcast_in_dim3A_217 = vector.broadcast %broadcast_in_dim3A_216 : i32 to vector<16xi32>
      %gather3A_218 = tpu.vector_load_idx %arg11[%iota3A, %broadcast_in_dim3A_217] : memref<16x16xf32, #tpu.memory_space<vmem>>[vector<16xi32>, vector<16xi32>], vector<16xf32>,
      %add3A_219 = arith.addf %add3A_215, %gather3A_218 : vector<16xf32>
      %broadcast_in_dim3A_220 = arith.constant 9 : i32
      %broadcast_in_dim3A_221 = vector.broadcast %broadcast_in_dim3A_220 : i32 to vector<16xi32>
      %gather3A_222 = tpu.vector_load_idx %arg11[%iota3A, %broadcast_in_dim3A_221] : memref<16x16xf32, #tpu.memory_space<vmem>>[vector<16xi32>, vector<16xi32>], vector<16xf32>,
      %add3A_223 = arith.addf %add3A_219, %gather3A_222 : vector<16xf32>
      %broadcast_in_dim3A_224 = arith.constant 10 : i32
      %broadcast_in_dim3A_225 = vector.broadcast %broadcast_in_dim3A_224 : i32 to vector<16xi32>
      %gather3A_226 = tpu.vector_load_idx %arg11[%iota3A, %broadcast_in_dim3A_225] : memref<16x16xf32, #tpu.memory_space<vmem>>[vector<16xi32>, vector<16xi32>], vector<16xf32>,
      %add3A_227 = arith.addf %add3A_223, %gather3A_226 : vector<16xf32>
      %broadcast_in_dim3A_228 = arith.constant 11 : i32
      %broadcast_in_dim3A_229 = vector.broadcast %broadcast_in_dim3A_228 : i32 to vector<16xi32>
      %gather3A_230 = tpu.vector_load_idx %arg11[%iota3A, %broadcast_in_dim3A_229] : memref<16x16xf32, #tpu.memory_space<vmem>>[vector<16xi32>, vector<16xi32>], vector<16xf32>,
      %add3A_231 = arith.addf %add3A_227, %gather3A_230 : vector<16xf32>
      %broadcast_in_dim3A_232 = arith.constant 12 : i32
      %broadcast_in_dim3A_233 = vector.broadcast %broadcast_in_dim3A_232 : i32 to vector<16xi32>
      %gather3A_234 = tpu.vector_load_idx %arg11[%iota3A, %broadcast_in_dim3A_233] : memref<16x16xf32, #tpu.memory_space<vmem>>[vector<16xi32>, vector<16xi32>], vector<16xf32>,
      %add3A_235 = arith.addf %add3A_231, %gather3A_234 : vector<16xf32>
      %broadcast_in_dim3A_236 = arith.constant 13 : i32
      %broadcast_in_dim3A_237 = vector.broadcast %broadcast_in_dim3A_236 : i32 to vector<16xi32>
      %gather3A_238 = tpu.vector_load_idx %arg11[%iota3A, %broadcast_in_dim3A_237] : memref<16x16xf32, #tpu.memory_space<vmem>>[vector<16xi32>, vector<16xi32>], vector<16xf32>,
      %add3A_239 = arith.addf %add3A_235, %gather3A_238 : vector<16xf32>
      %broadcast_in_dim3A_240 = arith.constant 14 : i32
      %broadcast_in_dim3A_241 = vector.broadcast %broadcast_in_dim3A_240 : i32 to vector<16xi32>
      %gather3A_242 = tpu.vector_load_idx %arg11[%iota3A, %broadcast_in_dim3A_241] : memref<16x16xf32, #tpu.memory_space<vmem>>[vector<16xi32>, vector<16xi32>], vector<16xf32>,
      %add3A_243 = arith.addf %add3A_239, %gather3A_242 : vector<16xf32>
      %broadcast_in_dim3A_244 = arith.constant 15 : i32
      %broadcast_in_dim3A_245 = vector.broadcast %broadcast_in_dim3A_244 : i32 to vector<16xi32>
      %gather3A_246 = tpu.vector_load_idx %arg11[%iota3A, %broadcast_in_dim3A_245] : memref<16x16xf32, #tpu.memory_space<vmem>>[vector<16xi32>, vector<16xi32>], vector<16xf32>,
      %add3A_247 = arith.addf %add3A_243, %gather3A_246 : vector<16xf32>
      %mul3A_248 = arith.constant 8 : i32
      %mul3A_249 = arith.muli %add3A_60, %mul3A_248 : i32
      %get3A_250 = arith.index_cast %mul3A_249 : i32 to index
      %get3A_251 = tpu.vector_load %arg8[%get3A_250] {strides = array<i32>} : memref<48xf32, #tpu.memory_space<vmem>>, vector<16xf32>,
      %mul3A_252 = arith.constant 8 : i32
      %mul3A_253 = arith.muli %add3A_60, %mul3A_252 : i32
      %get3A_254 = arith.index_cast %mul3A_253 : i32 to index
      %get3A_255 = tpu.vector_load %arg9[%get3A_254] {strides = array<i32>} : memref<48xf32, #tpu.memory_space<vmem>>, vector<16xf32>,
      %sub3A = arith.subf %add3A_247, %get3A_251 : vector<16xf32>
      %neg3A = arith.constant 0.000000e+00 : f32
      %neg3A_256 = vector.broadcast %neg3A : f32 to vector<16xf32>
      %neg3A_257 = arith.subf %neg3A_256, %sub3A : vector<16xf32>
      %max3A = arith.maximumf %neg3A_257, %broadcast_in_dim3A_32 : vector<16xf32>
      %mul3A_258 = arith.mulf %get3A_255, %max3A : vector<16xf32>
      %add3A_259 = arith.addf %sub3A, %mul3A_258 : vector<16xf32>
      %abs3A_260 = math.absf %add3A_259 : vector<16xf32>
      %add3A_261 = arith.addf %scan3A_56, %abs3A_260 : vector<16xf32>
      scf.yield %add3A_261 : vector<16xf32>
    }
    %scan3A_37 = arith.constant 3 : i32
    %get3A = arith.constant 0 : index
    %get3A_38 = tpu.vector_load %arg8[%get3A] {strides = array<i32>} : memref<48xf32, #tpu.memory_space<vmem>>, vector<16xf32>,
    %abs3A = math.absf %get3A_38 : vector<16xf32>
    %add3A_39 = arith.addf %broadcast_in_dim3A_32, %abs3A : vector<16xf32>
    %get3A_40 = arith.constant 16 : index
    %get3A_41 = tpu.vector_load %arg8[%get3A_40] {strides = array<i32>} : memref<48xf32, #tpu.memory_space<vmem>>, vector<16xf32>,
    %abs3A_42 = math.absf %get3A_41 : vector<16xf32>
    %add3A_43 = arith.addf %add3A_39, %abs3A_42 : vector<16xf32>
    %get3A_44 = arith.constant 32 : index
    %get3A_45 = tpu.vector_load %arg8[%get3A_44] {strides = array<i32>} : memref<48xf32, #tpu.memory_space<vmem>>, vector<16xf32>,
    %abs3A_46 = math.absf %get3A_45 : vector<16xf32>
    %add3A_47 = arith.addf %add3A_43, %abs3A_46 : vector<16xf32>
    %swap3A = arith.constant 0 : i32
    %swap3A_48 = arith.index_cast %swap3A : i32 to index
    %swap3A_49 = arith.constant 0 : index
    %swap3A_50 = tpu.vector_load %arg12[%swap3A_48, %swap3A_49] {strides = array<i32>} : memref<2x16xf32, #tpu.memory_space<vmem>>, vector<16xf32>,
    tpu.vector_store %arg12[%swap3A_48, %swap3A_49], %scan3A_36 {strides = array<i32>} : memref<2x16xf32, #tpu.memory_space<vmem>>, vector<16xf32>,
    %swap3A_51 = arith.constant 1 : i32
    %swap3A_52 = arith.index_cast %swap3A_51 : i32 to index
    %swap3A_53 = arith.constant 0 : index
    %swap3A_54 = tpu.vector_load %arg12[%swap3A_52, %swap3A_53] {strides = array<i32>} : memref<2x16xf32, #tpu.memory_space<vmem>>, vector<16xf32>,
    tpu.vector_store %arg12[%swap3A_52, %swap3A_53], %add3A_47 {strides = array<i32>} : memref<2x16xf32, #tpu.memory_space<vmem>>, vector<16xf32>,
    "tpu.region"() ({
      %run_scoped3A = tpu.sem_alloc : memref<!tpu.dma_semaphore, #tpu.memory_space<semaphore_mem>>
      %dma_start3A_55 = arith.constant 0 : i32
      %dma_start3A_56 = arith.constant 0 : i32
      %dma_start3A_57 = tpu.memref_slice %arg6[%add3A, %dma_start3A_55, %dma_start3A_56] : memref<32x2x16xf32, #tpu.memory_space<hbm>> -> memref<1x2x16xf32, #tpu.memory_space<hbm>>
      %dma_start3A_58 = tpu.memref_squeeze %dma_start3A_57 : memref<1x2x16xf32, #tpu.memory_space<hbm>> -> memref<2x16xf32, #tpu.memory_space<hbm>>
      %dma_start3A_59 = arith.constant 0 : i32
      %dma_start3A_60 = arith.constant 0 : i32
      %dma_start3A_61 = tpu.memref_slice %arg6[%add3A, %dma_start3A_59, %dma_start3A_60] : memref<32x2x16xf32, #tpu.memory_space<hbm>> -> memref<1x2x16xf32, #tpu.memory_space<hbm>>
      %dma_start3A_62 = tpu.memref_squeeze %dma_start3A_61 : memref<1x2x16xf32, #tpu.memory_space<hbm>> -> memref<2x16xf32, #tpu.memory_space<hbm>>
      tpu.enqueue_dma source(%arg12 : memref<2x16xf32, #tpu.memory_space<vmem>>) target(%dma_start3A_62 : memref<2x16xf32, #tpu.memory_space<hbm>>) target_semaphore(%run_scoped3A : memref<!tpu.dma_semaphore, #tpu.memory_space<semaphore_mem>>)
      %dma_wait3A = arith.constant 0 : i32
      %dma_wait3A_63 = arith.constant 0 : i32
      %dma_wait3A_64 = tpu.memref_slice %arg6[%add3A, %dma_wait3A, %dma_wait3A_63] : memref<32x2x16xf32, #tpu.memory_space<hbm>> -> memref<1x2x16xf32, #tpu.memory_space<hbm>>
      %dma_wait3A_65 = tpu.memref_squeeze %dma_wait3A_64 : memref<1x2x16xf32, #tpu.memory_space<hbm>> -> memref<2x16xf32, #tpu.memory_space<hbm>>
      %dma_wait3A_66 = arith.constant 0 : i32
      %dma_wait3A_67 = arith.constant 0 : i32
      %dma_wait3A_68 = tpu.memref_slice %arg6[%add3A, %dma_wait3A_66, %dma_wait3A_67] : memref<32x2x16xf32, #tpu.memory_space<hbm>> -> memref<1x2x16xf32, #tpu.memory_space<hbm>>
      %dma_wait3A_69 = tpu.memref_squeeze %dma_wait3A_68 : memref<1x2x16xf32, #tpu.memory_space<hbm>> -> memref<2x16xf32, #tpu.memory_space<hbm>>
      tpu.wait_dma2 semaphore(%run_scoped3A : memref<!tpu.dma_semaphore, #tpu.memory_space<semaphore_mem>>) src(%arg12 : memref<2x16xf32, #tpu.memory_space<vmem>>) dst(%dma_wait3A_69 : memref<2x16xf32, #tpu.memory_space<hbm>>)
      tpu.yield
    }) : () -> ()
    return
  }
}

module attributes {stable_mosaic.version = 14 : i64} {
  func.func @_tc_body(%arg0: i32, %arg1: memref<512x4096xf32, #tpu.memory_space<vmem>>, %arg2: memref<1x4096xf32, #tpu.memory_space<vmem>>, %arg3: memref<512x1xf32, #tpu.memory_space<vmem>>, %arg4: memref<512x1xf32, #tpu.memory_space<vmem>>, %arg5: memref<1x1xf32, #tpu.memory_space<vmem>>, %arg6: memref<1x1xf32, #tpu.memory_space<vmem>>) attributes {dimension_semantics = [#tpu.dimension_semantics<arbitrary>], iteration_bounds = array<i64: 5>, scalar_prefetch = 0 : i64, scratch_operands = 0 : i64, tpu.core_type = #tpu.core_type<tc>, window_params = [{transform_indices = @transform_0, window_bounds = array<i64: 512, 4096>}, {pipeline_mode = #tpu.pipeline_mode<synchronous>, transform_indices = @transform_1, window_bounds = array<i64: 1, 4096>}, {transform_indices = @transform_2, window_bounds = array<i64: 512, 1>}, {transform_indices = @transform_3, window_bounds = array<i64: 512, 1>}, {pipeline_mode = #tpu.pipeline_mode<synchronous>, transform_indices = @transform_4, window_bounds = array<i64: 1, 1>}, {pipeline_mode = #tpu.pipeline_mode<synchronous>, transform_indices = @transform_5, window_bounds = array<i64: 1, 1>}]} {
    %get3A = arith.constant 0 : index
    %get3A_0 = arith.constant 0 : index
    %get3A_1 = vector.load %arg1[%get3A, %get3A_0] : memref<512x4096xf32, #tpu.memory_space<vmem>>, vector<512x4096xf32>
    %get3A_2 = arith.constant 0 : index
    %get3A_3 = arith.constant 0 : index
    %get3A_4 = vector.load %arg2[%get3A_2, %get3A_3] : memref<1x4096xf32, #tpu.memory_space<vmem>>, vector<1x4096xf32>
    %mul3A = vector.broadcast %get3A_4 : vector<1x4096xf32> to vector<512x4096xf32>
    %mul3A_5 = arith.mulf %get3A_1, %mul3A : vector<512x4096xf32>
    %reduce_sum3A = arith.constant dense<0.000000e+00> : vector<512xf32>
    %reduce_sum3A_6 = vector.multi_reduction <add>, %mul3A_5, %reduce_sum3A [1] : vector<512x4096xf32> to vector<512xf32>
    %broadcast_in_dim3A = vector.shape_cast %reduce_sum3A_6 : vector<512xf32> to vector<512x1xf32>
    %get3A_7 = arith.constant 0 : index
    %get3A_8 = arith.constant 0 : index
    %get3A_9 = vector.load %arg3[%get3A_7, %get3A_8] : memref<512x1xf32, #tpu.memory_space<vmem>>, vector<512x1xf32>
    %sub3A = arith.subf %broadcast_in_dim3A, %get3A_9 : vector<512x1xf32>
    %get3A_10 = arith.constant 0 : index
    %get3A_11 = arith.constant 0 : index
    %get3A_12 = vector.load %arg4[%get3A_10, %get3A_11] : memref<512x1xf32, #tpu.memory_space<vmem>>, vector<512x1xf32>
    %neg3A = arith.constant 0.000000e+00 : f32
    %neg3A_13 = vector.broadcast %neg3A : f32 to vector<512x1xf32>
    %neg3A_14 = arith.subf %neg3A_13, %sub3A : vector<512x1xf32>
    %max3A = arith.constant 0.000000e+00 : f32
    %max3A_15 = vector.broadcast %max3A : f32 to vector<512x1xf32>
    %max3A_16 = arith.maximumf %neg3A_14, %max3A_15 : vector<512x1xf32>
    %mul3A_17 = arith.mulf %get3A_12, %max3A_16 : vector<512x1xf32>
    %add3A = arith.addf %sub3A, %mul3A_17 : vector<512x1xf32>
    %eq3A = arith.constant 0 : i32
    %eq3A_18 = arith.cmpi eq, %arg0, %eq3A : i32
    %convert_element_type3A = arith.extui %eq3A_18 : i1 to i32
    %cond3A = arith.constant 0 : i32
    %cond3A_19 = arith.cmpi ne, %convert_element_type3A, %cond3A : i32
    scf.if %cond3A_19 {
      %broadcast_in_dim3A_49 = arith.constant 0.000000e+00 : f32
      %broadcast_in_dim3A_50 = vector.broadcast %broadcast_in_dim3A_49 : f32 to vector<1x1xf32>
      %swap3A_51 = arith.constant 0 : index
      %swap3A_52 = arith.constant 0 : index
      %swap3A_53 = vector.load %arg5[%swap3A_51, %swap3A_52] : memref<1x1xf32, #tpu.memory_space<vmem>>, vector<1x1xf32>
      tpu.vector_store %arg5[%swap3A_51, %swap3A_52], %broadcast_in_dim3A_50 {strides = array<i32>} : memref<1x1xf32, #tpu.memory_space<vmem>>, vector<1x1xf32>,
      %broadcast_in_dim3A_54 = arith.constant 0.000000e+00 : f32
      %broadcast_in_dim3A_55 = vector.broadcast %broadcast_in_dim3A_54 : f32 to vector<1x1xf32>
      %swap3A_56 = arith.constant 0 : index
      %swap3A_57 = arith.constant 0 : index
      %swap3A_58 = vector.load %arg6[%swap3A_56, %swap3A_57] : memref<1x1xf32, #tpu.memory_space<vmem>>, vector<1x1xf32>
      tpu.vector_store %arg6[%swap3A_56, %swap3A_57], %broadcast_in_dim3A_55 {strides = array<i32>} : memref<1x1xf32, #tpu.memory_space<vmem>>, vector<1x1xf32>,
    } else {
    }
    %get3A_20 = arith.constant 0 : index
    %get3A_21 = arith.constant 0 : index
    %get3A_22 = vector.load %arg5[%get3A_20, %get3A_21] : memref<1x1xf32, #tpu.memory_space<vmem>>, vector<1x1xf32>
    %abs3A = math.absf %add3A : vector<512x1xf32>
    %reduce_sum3A_23 = vector.shape_cast %abs3A : vector<512x1xf32> to vector<1x512x1xf32>
    %reduce_sum3A_24 = arith.constant dense<0.000000e+00> : vector<1xf32>
    %reduce_sum3A_25 = vector.multi_reduction <add>, %reduce_sum3A_23, %reduce_sum3A_24 [1, 2] : vector<1x512x1xf32> to vector<1xf32>
    %reduce_sum3A_26 = vector.shape_cast %reduce_sum3A_25 : vector<1xf32> to vector<1x1x1xf32>
    %reduce_sum3A_27 = vector.extract %reduce_sum3A_26[0, 0, 0] : f32 from vector<1x1x1xf32>
    %broadcast_in_dim3A_28 = vector.broadcast %reduce_sum3A_27 : f32 to vector<1x1xf32>
    %add3A_29 = arith.addf %get3A_22, %broadcast_in_dim3A_28 : vector<1x1xf32>
    %swap3A = arith.constant 0 : index
    %swap3A_30 = arith.constant 0 : index
    %swap3A_31 = vector.load %arg5[%swap3A, %swap3A_30] : memref<1x1xf32, #tpu.memory_space<vmem>>, vector<1x1xf32>
    tpu.vector_store %arg5[%swap3A, %swap3A_30], %add3A_29 {strides = array<i32>} : memref<1x1xf32, #tpu.memory_space<vmem>>, vector<1x1xf32>,
    %get3A_32 = arith.constant 0 : index
    %get3A_33 = arith.constant 0 : index
    %get3A_34 = vector.load %arg6[%get3A_32, %get3A_33] : memref<1x1xf32, #tpu.memory_space<vmem>>, vector<1x1xf32>
    %get3A_35 = arith.constant 0 : index
    %get3A_36 = arith.constant 0 : index
    %get3A_37 = vector.load %arg3[%get3A_35, %get3A_36] : memref<512x1xf32, #tpu.memory_space<vmem>>, vector<512x1xf32>
    %abs3A_38 = math.absf %get3A_37 : vector<512x1xf32>
    %reduce_sum3A_39 = vector.shape_cast %abs3A_38 : vector<512x1xf32> to vector<1x512x1xf32>
    %reduce_sum3A_40 = arith.constant dense<0.000000e+00> : vector<1xf32>
    %reduce_sum3A_41 = vector.multi_reduction <add>, %reduce_sum3A_39, %reduce_sum3A_40 [1, 2] : vector<1x512x1xf32> to vector<1xf32>
    %reduce_sum3A_42 = vector.shape_cast %reduce_sum3A_41 : vector<1xf32> to vector<1x1x1xf32>
    %reduce_sum3A_43 = vector.extract %reduce_sum3A_42[0, 0, 0] : f32 from vector<1x1x1xf32>
    %broadcast_in_dim3A_44 = vector.broadcast %reduce_sum3A_43 : f32 to vector<1x1xf32>
    %add3A_45 = arith.addf %get3A_34, %broadcast_in_dim3A_44 : vector<1x1xf32>
    %swap3A_46 = arith.constant 0 : index
    %swap3A_47 = arith.constant 0 : index
    %swap3A_48 = vector.load %arg6[%swap3A_46, %swap3A_47] : memref<1x1xf32, #tpu.memory_space<vmem>>, vector<1x1xf32>
    tpu.vector_store %arg6[%swap3A_46, %swap3A_47], %add3A_45 {strides = array<i32>} : memref<1x1xf32, #tpu.memory_space<vmem>>, vector<1x1xf32>,
    return
  }
  func.func @transform_0(%arg0: i32) -> (i32, i32) {
    %add3A = arith.constant 3 : i32
    %add3A_0 = arith.addi %arg0, %add3A : i32
    %c0_i32 = arith.constant 0 : i32
    %c0_i32_1 = arith.constant 0 : i32
    return %add3A_0, %c0_i32 : i32, i32
  }
  func.func @transform_1(%arg0: i32) -> (i32, i32) {
    %c0_i32 = arith.constant 0 : i32
    %c0_i32_0 = arith.constant 0 : i32
    %c0_i32_1 = arith.constant 0 : i32
    return %c0_i32, %c0_i32_0 : i32, i32
  }
  func.func @transform_2(%arg0: i32) -> (i32, i32) {
    %add3A = arith.constant 3 : i32
    %add3A_0 = arith.addi %arg0, %add3A : i32
    %c0_i32 = arith.constant 0 : i32
    %c0_i32_1 = arith.constant 0 : i32
    return %add3A_0, %c0_i32 : i32, i32
  }
  func.func @transform_3(%arg0: i32) -> (i32, i32) {
    %add3A = arith.constant 3 : i32
    %add3A_0 = arith.addi %arg0, %add3A : i32
    %c0_i32 = arith.constant 0 : i32
    %c0_i32_1 = arith.constant 0 : i32
    return %add3A_0, %c0_i32 : i32, i32
  }
  func.func @transform_4(%arg0: i32) -> (i32, i32) {
    %c0_i32 = arith.constant 0 : i32
    %c0_i32_0 = arith.constant 0 : i32
    %c0_i32_1 = arith.constant 0 : i32
    return %c0_i32, %c0_i32_0 : i32, i32
  }
  func.func @transform_5(%arg0: i32) -> (i32, i32) {
    %c0_i32 = arith.constant 0 : i32
    %c0_i32_0 = arith.constant 0 : i32
    %c0_i32_1 = arith.constant 0 : i32
    return %c0_i32, %c0_i32_0 : i32, i32
  }
}

</mosaic_0001>

<sc_bundles>
// kernel: kernel.4.cloned.1.call-start
scs
__scs_entry_jumppad:
0x0: {  	(pc) =	sbr.rel $0x88, $3  }
0x1: {  	(tag) =	ssettag $0x0;
	lr =	simm.s32 $0x1  }
0x2: {  	[smem:$0x3F9D] =	sst lr;
	_ =	strace $0xD0000000  }
0x3: {  	_ = 	snop  }
0x4: {  	_ = 	snop  }
0x5: {  	_ = 	snop  }
0x6: {  	_ = 	snop  }
0x7: {  	_ = 	snop  }
__scs_overlays_trampoline_lowered:
0x8: {  	[smem:$0x3FAC] =	sst s0  }
0x9: {  	[smem:$0x3FAD] =	sst s1  }
0xa: {  	[smem:$0x3FAE] =	sst s2  }
0xb: {  	[smem:$0x3FAF] =	sst s3  }
0xc: {  	[smem:$0x3FB0] =	sst s4  }
0xd: {  	[smem:$0x3FB1] =	sst s5  }
0xe: {  	[smem:$0x3FB2] =	sst s6  }
0xf: {  	[smem:$0x3FB3] =	sst s7  }
0x10: {  	[smem:$0x3FB4] =	sst s8  }
0x11: {  	[smem:$0x3FB5] =	sst s9;
	s0 =	simm.s32 @!p0 $0x0  }
0x12: {  	s1 =	sld [smem:$0x3F9B];
	s0 =	simm.s32 @p0 $0x1  }
0x13: {  	[smem:$0x3FB6] =	sst s0;
	s0 =	simm.s32 @!p1 $0x0  }
0x14: {  	s2 =	sld [smem:$0x3F9A];
	s0 =	simm.s32 @p1 $0x1  }
0x15: {  	[smem:$0x3FB7] =	sst s0;
	s0 =	simm.s32 @!p2 $0x0  }
0x16: {  	s3 =	sld [smem:$0x3FDB];
	s0 =	simm.s32 @p2 $0x1  }
0x17: {  	s4 =	simm.s32 $0x1BF5;
	[smem:$0x3FB9] =	sst s0  }
0x18: {  	s0 =	sld [smem:$0x3F9C];
	_ =	swait.ge [sflag:s4], $0x0  }
0x19: {  	s7 =	sld [smem:$0x3F9D]  }
0x1a: {  	s8 =	sadd.s32 $0xFFFFE003, lr  }
0x1b: {  	s9 =	sadd.s32 $0xFFFFFEF7, lr;
	s5 =	simm.s32 $0xFFFFFFFF;
	p2 =	slt.u32 s8, $0xFFFFF086  }
0x1c: {  	p1 =	slt.u32 s9, $0xF7A;
	s5 =	simm.s32 @!p2 $0x0  }
0x1d: {  	s5 =	simm.s32 @p1 $0x1;
	p0 =	seq.s32 s7, s2  }
0x1e: {  	s7 =	smul.u32 @!p0 $0xF7A, s2;
	p2 =	seq.s32 @!p0 s5, $0x0  }
0x1f: {  	s9 =	smul.u32 $0xF7A, s1;
	s8 =	simm.s32 @!p0 $0x1BF5;
	p2 =	por !p2, p0  }
0x20: {  	[sflag:s8] =	ssyncset.s32 @!p0 $0xFFFFF086;
	s6 =	sadd.s32 @!p0 s3, s7;
	s7 =	simm.s32 @!p0 $0x108  }
0x21: {  	s3 =	sadd.s32 s3, s9;
	s6 =	sadd.s32 @!p0 $0x88, s6;
	s7 =	simm.s32 @p2 $0x1082  }
0x22: {  	[simem:s7], [sflag:s8] =	dma.local @!p0 [hbm:s6], $0xF7A  }
0x23: {  	s9 =	sor.u32 $0xD0000000, s2;
	s6 =	simm.s32 $0x108;
	_ =	swait.ge @!p0 [sflag:s8], $0x0  }
0x24: {  	s3 =	sadd.s32 $0x88, s3;
	s6 =	simm.s32 @!p1 $0x1082;
	[sflag:s4] =	ssyncset.s32 $0xFFFFF086  }
0x25: {  	[simem:s6], [sflag:s4] =	dma.local [hbm:s3], $0xF7A  }
0x26: {  	[smem:$0x3F9D] =	sst s1;
	(tag) =	ssettag s2;
	_ =	strace s9  }
0x27: {  	s1 =	sld [smem:$0x3FAD]  }
0x28: {  	s2 =	sld [smem:$0x3FAE]  }
0x29: {  	s4 =	sld [smem:$0x3FB0]  }
0x2a: {  	p0 =	seq.s32 s5, $0x0;
	s5 =	sld [smem:$0x3FB1]  }
0x2b: {  	s6 =	sld [smem:$0x3FB2]  }
0x2c: {  	s7 =	sld [smem:$0x3FB3]  }
0x2d: {  	s3 =	simm.s32 $0x108;
	s8 =	sld [smem:$0x3FB4]  }
0x2e: {  	s3 =	simm.s32 @!p0 $0x1082;
	s9 =	sld [smem:$0x3FB5]  }
0x2f: {  	lr =	sadd.s32 s0, s3;
	s0 =	sld [smem:$0x3FAC]  }
0x30: {  	s3 =	sld [smem:$0x3FAF]  }
0x31: {  	[smem:$0x3FB8] =	sst s10  }
0x32: {  	s10 =	sld [smem:$0x3FB6];
	_ =	sdelay $0x3  }
0x33: {  	p0 =	seq.s32 s10, $0x1;
	s10 =	sld [smem:$0x3FB8];
	_ =	sdelay $0x3  }
0x34: {  	[smem:$0x3FB8] =	sst s10  }
0x35: {  	s10 =	sld [smem:$0x3FB7];
	_ =	sdelay $0x3  }
0x36: {  	p1 =	seq.s32 s10, $0x1;
	s10 =	sld [smem:$0x3FB8];
	_ =	sdelay $0x3  }
0x37: {  	[smem:$0x3FB8] =	sst s10  }
0x38: {  	s10 =	sld [smem:$0x3FB9]  }
0x39: {  	_ = 	snop;
	(pc) =	sbr.ind lr, $3  }
0x3a: {  	_ = 	snop  }
0x3b: {  	_ = 	snop  }
0x3c: {  	p2 =	seq.s32 s10, $0x1;
	s10 =	sld [smem:$0x3FB8]  }
0x3d: {  	_ =	shalt  }
0x3e: {  	_ =	shalt  }
0x3f: {  	_ =	shalt  }
0x40: {  	_ =	shalt  }
0x41: {  	_ =	shalt  }
0x42: {  	_ =	shalt  }
0x43: {  	_ =	shalt  }
0x44: {  	_ =	shalt  }
0x45: {  	_ =	shalt  }
0x46: {  	_ =	shalt  }
0x47: {  	_ =	shalt  }
0x48: {  	_ =	shalt  }
0x49: {  	_ =	shalt  }
0x4a: {  	_ =	shalt  }
0x4b: {  	_ =	shalt  }
0x4c: {  	_ =	shalt  }
0x4d: {  	_ =	shalt  }
0x4e: {  	_ =	shalt  }
0x4f: {  	_ =	shalt  }
0x50: {  	_ =	shalt  }
0x51: {  	_ =	shalt  }
0x52: {  	_ =	shalt  }
0x53: {  	_ =	shalt  }
0x54: {  	_ =	shalt  }
0x55: {  	_ =	shalt  }
0x56: {  	_ =	shalt  }
0x57: {  	_ =	shalt  }
0x58: {  	_ =	shalt  }
0x59: {  	_ =	shalt  }
0x5a: {  	_ =	shalt  }
0x5b: {  	_ =	shalt  }
0x5c: {  	_ =	shalt  }
0x5d: {  	_ =	shalt  }
0x5e: {  	_ =	shalt  }
0x5f: {  	_ =	shalt  }
0x60: {  	_ =	shalt  }
0x61: {  	_ =	shalt  }
0x62: {  	_ =	shalt  }
0x63: {  	_ =	shalt  }
0x64: {  	_ =	shalt  }
0x65: {  	_ =	shalt  }
0x66: {  	_ =	shalt  }
0x67: {  	_ =	shalt  }
0x68: {  	_ =	shalt  }
0x69: {  	_ =	shalt  }
0x6a: {  	_ =	shalt  }
0x6b: {  	_ =	shalt  }
0x6c: {  	_ =	shalt  }
0x6d: {  	_ =	shalt  }
0x6e: {  	_ =	shalt  }
0x6f: {  	_ =	shalt  }
0x70: {  	_ =	shalt  }
0x71: {  	_ =	shalt  }
0x72: {  	_ =	shalt  }
0x73: {  	_ =	shalt  }
0x74: {  	_ =	shalt  }
0x75: {  	_ =	shalt  }
0x76: {  	_ =	shalt  }
0x77: {  	_ =	shalt  }
0x78: {  	_ =	shalt  }
0x79: {  	_ =	shalt  }
0x7a: {  	_ =	shalt  }
0x7b: {  	_ =	shalt  }
0x7c: {  	_ =	shalt  }
0x7d: {  	_ =	shalt  }
0x7e: {  	_ =	shalt  }
0x7f: {  	_ =	shalt  }
0x80: {  	_ =	shalt  }
0x81: {  	_ =	shalt  }
0x82: {  	_ =	shalt  }
0x83: {  	_ =	shalt  }
0x84: {  	_ =	shalt  }
0x85: {  	_ =	shalt  }
0x86: {  	_ =	shalt  }
0x87: {  	_ =	shalt  }
.Lfunc_end0:
.L_simem_size_0:
called_computation_lowered:
.L_overlay_start_0:
0x88: {  	s2 =	sld [smem:$0x3FD9]  }
0x89: {  	s3 =	sld [smem:$0x3FFE];
	_ =	sdelay $0x1  }
0x8a: {  	s1 =	srdreg.scid  }
0x8b: {  	s0 =	sand.u32 $0x1, s1  }
0x8c: {  	s17 =	sshll.u32 s0, $0xA;
	s2 =	sadd.s32 s3, s2  }
0x8d: {  	s2 =	sadd.s32 s2, s17  }
0x8e: {  	[smem:$0x3FC4] =	sst s2  }
0x8f: {  	_ = 	snop  }
0x90: {  	s2 =	sld [smem:$0x3FC9]  }
0x91: {  	s18 =	sld [smem:$0x3FC8]  }
0x92: {  	s4 =	sld [smem:$0x3FC7]  }
0x93: {  	s5 =	sld [smem:$0x3FC6];
	(tm) =	ssettm $0x1  }
0x94: {  	s6 =	sld [smem:$0x3FFB];
	_ =	sdelay $0x3  }
0x95: {  	_ =	strace s6  }
0x96: {  	s6 =	sld [smem:$0x3FFC];
	_ =	sdelay $0x3  }
0x97: {  	_ =	strace s6  }
0x98: {  	s6 =	sld [smem:$0x3FFD];
	_ =	sdelay $0x3  }
0x99: {  	_ =	strace s6  }
0x9a: {  	_ =	strace $0x8FFFFFFF  }
0x9b: {  	s19 =	sld [smem:$0x3FDB];
	_ =	sdelay $0x1  }
0x9c: {  	s7 =	simm.s32 $_scs_section_size  }
0x9d: {  	s8 =	simm.s32 $_size__tile_overlayer_lowered;
	s9 =	simm.s32 $_tile_overlayer_lowered  }
0x9e: {  	s22 =	simm.s32 $0x1BFF;
	s21 =	sshll.u32 s9, $0x1;
	s6 =	sadd.s32 s7, s19  }
0x9f: {  	s10 =	simm.s32 $0x0;
	s20 =	sshll.u32 s8, $0x1;
	s8 =	sadd.s32 s21, s6  }
0xa0: {  	[timem:s10], [sflag:s22] =	dma.local [hbm:s8], s20  }
0xa1: {  	_ =	swait.ge [sflag:s22], s20  }
0xa2: {  	s7 =	ssub.s32 $0x0, s20;
	[sflag:s22] =	ssyncset.done $0x0  }
0xa3: {  	[sflag:s22] =	ssyncadd.s32 s7;
	_ =	sdelay $0x1  }
0xa4: {  	s23 =	simm.s32 $0x1B8B  }
0xa5: {  	_ =	swait.ge [sflag:s23], $0x1  }
0xa6: {  	[sflag:s23] =	ssyncset.done $0x0  }
0xa7: {  	s25 =	simm.s32 $0x1B8E;
	s24 =	sld [smem:$0x3FFE];
	[sflag:s23] =	ssyncadd.s32 $0xFFFFFFFF  }
0xa8: {  	s26 =	simm.s32 $execute0_lowered;
	[smem:$0x3FD2] =	sst s25  }
0xa9: {  	s8 =	sshll.u32 s26, $0x1;
	_ =	strace $0x80000046;
	[dreg:$0x1] =	wrdreg $0xFFFFFFFF  }
0xaa: {  	s28 =	simm.s32 $_size_execute0_lowered;
	s6 =	sadd.s32 s6, s8;
	[dreg:$0x0] =	wrdreg $0x0  }
0xab: {  	s8 =	sshll.u32 s28, $0x1;
	[dreg:$0x2] =	wrdreg s6  }
0xac: {  	[dreg:$0x3] =	wrdreg s8  }
0xad: {  	[dreg:$0x4] =	wrdreg $0xC0  }
0xae: {  	_ =	task [dreg:s10], $0x5FFFF  }
0xaf: {  	[dreg:$0x1] =	wrdreg $0xFFFFFFFF  }
0xb0: {  	[dreg:$0x0] =	wrdreg $0x60  }
0xb1: {  	[dreg:$0x2] =	wrdreg s2  }
0xb2: {  	[dreg:$0x3] =	wrdreg s4  }
0xb3: {  	[dreg:$0x4] =	wrdreg s18  }
0xb4: {  	[dreg:$0x5] =	wrdreg s5  }
0xb5: {  	[dreg:$0x6] =	wrdreg s24  }
0xb6: {  	[dreg:$0x7] =	wrdreg $0x9  }
0xb7: {  	_ =	task.clear_ibuf [dreg:s10], $0x8FFFF;
	_ =	strace $0x90000046  }
0xb8: {  	s29 =	simm.s32 $0x9;
	_ =	strace $0x80000048  }
0xb9: {  	_ =	swait.ge [sflag:s29], $0x1  }
0xba: {  	[sflag:s29] =	ssyncadd.s32 $0xFFFFFFFF  }
0xbb: {  	_ =	strace $0x90000048  }
0xbc: {  	_ =	sfence  }
0xbd: {  	s30 =	sld [smem:$0x0];
	_ =	sdelay $0x2  }
0xbe: {  	s31 =	sshll.u32 s1, $0xD;
	s1 =	sshrl.u32 s1, $0x2  }
0xbf: {  	s3 =	sand.u32 $0x4000, s31;
	s1 =	sadd.s32 s1, s30  }
0xc0: {  	s0 =	sor.u32 s3, s0;
	s1 =	sshll.u32 s1, $0x11  }
0xc1: {  	s0 =	sor.u32 s1, s0  }
0xc2: {  	s0 =	sadd.s32 $0x8F2B, s0  }
0xc3: {  	[sflag:s0] =	ssyncadd.remote.s32 $0x1  }
0xc4: {  	_ =	sfence.sel $0xFFFF  }
0xc5: {  	[dreg:$0x0] =	wrdreg $0xFFFFFFFF;
	(pc) =	sbr.abs _section_cstart, $3  }
0xc6: {  	[dreg:$0x1] =	wrdreg $0xFFFFFFFF  }
0xc7: {  	_ =	task.clear_ibuf [dreg:s10], $0x2FFFF;
	_ =	strace $0x9FFFFFFF  }
0xc8: {  	(tm) =	ssettm $0x7FFFFFFF  }
0xc9: {  	_ =	shalt  }
tec
execute0_lowered:
.L_overlay_start_1:
0x0: {  	(tag) =	ssettag $0x1  }
0x1: {  	s0 =	rddreg [dreg:$0x0]  }
0x2: {  	s1 =	rddreg [dreg:$0x2]  }
0x3: {  	s3 =	rddreg [dreg:$0x3];
	s4 =	srdreg.scid  }
0x4: {  	s2 =	stileid.u32;
	s5 =	rddreg [dreg:$0x4];
	s13 =	simm.s32 $0x3  }
0x5: {  	s14 =	simm.s32 $0x1000;
	s15 =	simm.s32 $0x1080;
	s16 =	simm.s32 $0x1100  }
0x6: {  	s17 =	simm.s32 $0x9100;
	s18 =	simm.s32 $0x1;
	s19 =	simm.s32 $0x2  }
0x7: {  	v0 =	vlaneseq.u32;
	s20 =	simm.s32 $0x11100;
	s21 =	simm.s32 $0x11900;
	s22 =	simm.s32 $0x0  }
0x8: {  	s6 =	sand.u32 $0x1, s4;
	s7 =	sshll.u32 s2, $0x1;
	s4 =	simm.s32 $0x0;
	v0 =	vmul.u32 $0x80, v0  }
0x9: {  	s7 =	sor.u32 s6, s7;
	[smem:$0x7FF] =	sst s4;
	s6 =	ssub.s32 $0x2, s6  }
0xa: {  	s10 =	smul.u32 $0x6, s7;
	s8 =	sshll.u32 s7, $0x5;
	s9 =	sshrl.u32 s6, $0x1;
	v1 =	vor.u32 $0x1, v0;
	v2 =	vor.u32 $0x2, v0;
	v3 =	vor.u32 $0x3, v0  }
0xb: {  	s7 =	smul.u32 $0x6000, s7;
	_ =	strace $0x80000047;
	v4 =	vor.u32 $0x4, v0;
	v5 =	vor.u32 $0x5, v0;
	v6 =	vor.u32 $0x6, v0;
	s11 =	sadd.s32 s8, s5  }
0xc: {  	v7 =	vor.u32 $0x7, v0;
	v8 =	vor.u32 $0x8, v0;
	v9 =	vor.u32 $0x9, v0;
	s12 =	ssub.s32 s6, s9;
	s5 =	sadd.s32 s1, s10;
	s6 =	sadd.s32 s3, s10  }
0xd: {  	v10 =	vor.u32 $0xA, v0;
	v11 =	vor.u32 $0xB, v0;
	v12 =	vor.u32 $0xC, v0;
	s7 =	sadd.s32 s0, s7;
	s9 =	sadd.s32 $0x2, s10;
	s10 =	sadd.s32 $0x3, s10  }
0xe: {  	v13 =	vor.u32 $0xD, v0;
	v14 =	vor.u32 $0xE, v0;
	v15 =	vor.u32 $0xF, v0;
	s11 =	sadd.s32 $0x400, s11;
	s12 =	smax.u32 s12, $0x1;
	s8 =	sadd.s32 $0x1000, s7  }
.LBB2_1:
0xf: {  	s1 =	rddreg [dreg:$0x1]  }
0x10: {  	[tilespmem:s4], [sflag:$0x3] =	stream.linear.gather [hbm4b:s1+s4], $0x1000, $0x38;
	[tilespmem:$0x11A00] =	vst v63  }
0x11: {  	_ =	swait.ge [sflag:s13], $0x1000  }
0x12: {  	[sflag:s13] =	ssyncset.done $0x0  }
0x13: {  	[sflag:s13] =	ssyncadd.s32 $0xFFFFF000  }
0x14: {  	[tilespmem:s14], [sflag:$0x3] =	stream.linear.gather [hbm4b:s5+s4], $0x30, $0x38;
	[tilespmem:$0x11A00] =	vst v63  }
0x15: {  	_ =	swait.ge [sflag:s13], $0x30  }
0x16: {  	[sflag:s13] =	ssyncset.done $0x0  }
0x17: {  	[sflag:s13] =	ssyncadd.s32 $0xFFFFFFD0  }
0x18: {  	[tilespmem:s15], [sflag:$0x3] =	stream.linear.gather [hbm4b:s6+s4], $0x30, $0x38;
	[tilespmem:$0x11A00] =	vst v63  }
0x19: {  	_ =	swait.ge [sflag:s13], $0x30  }
0x1a: {  	[sflag:s13] =	ssyncset.done $0x0  }
0x1b: {  	[sflag:s13] =	ssyncadd.s32 $0xFFFFFFD0  }
0x1c: {  	[tilespmem:s16], [sflag:$0x1] =	stream.linear.gather [hbm4b:s7+s4], $0x8000, $0x38;
	[tilespmem:$0x11A00] =	vst v63  }
0x1d: {  	s23 =	simm.s32 $0x0  }
0x1e: {  	v16 =	vimm.f32 $0.0e+00;
	[tilespmem:s17], [sflag:$0x2] =	stream.linear.gather [hbm4b:s8+s4], $0x8000, $0x38;
	[tilespmem:$0x11A00] =	vst v63  }
.LBB2_2:
0x1f: {  	s24 =	simm.s32 $0x0  }
0x20: {  	_ =	swait.ge [sflag:s18], $0x8000;
	s1 =	sand.u32 $0x7, s24  }
0x21: {  	[sflag:s18] =	ssyncset.done $0x0;
	s1 =	sshll.u32 s1, $0x4  }
0x22: {  	[sflag:s18] =	ssyncadd.s32 $0xFFFF8000;
	s1 =	sadd.s32 $0x0, s1  }
0x23: {  	s26 =	sand.u32 $0x70, s24;
	s3 =	sand.u32 $0x7C00, s24;
	v18 =	vld [tilespmem:s24+$0x0];
	s1 =	sor.u32 $0x380, s1  }
0x24: {  	s25 =	sor.u32 s26, s3;
	v17 =	vld [tilespmem:s1+$0x1100]  }
0x25: {  	v30 =	vld [tilespmem:s25+$0x1100]  }
0x26: {  	v29 =	vld [tilespmem:s25+$0x1180]  }
0x27: {  	v26 =	vimm.f32 $0.0e+00;
	v25 =	vimm.f32 $0.0e+00;
	v22 =	vimm.f32 $0.0e+00;
	v27 =	vld [tilespmem:s25+$0x1200]  }
0x28: {  	s31 =	simm.s32 $0x10;
	v21 =	vimm.f32 $0.0e+00;
	s29 =	simm.s32 $0x20;
	v23 =	vimm.f32 $0.0e+00;
	v20 =	vimm.f32 $0.0e+00;
	s26 =	simm.s32 $0x1;
	v28 =	vld [tilespmem:s25+$0x1280]  }
0x29: {  	s28 =	simm.s32 $0x0;
	v19 =	vimm.f32 $0.0e+00;
	s30 =	sand.u32 $0x70, s31;
	s3 =	sand.u32 $0x7, s26;
	v31 =	vld [tilespmem:s25+$0x1300];
	v24 =	vmul.f32 v17, v18;
	v17 =	vimm.f32 $0.0e+00  }
.LBB2_3:
0x2a: {  	p0 =	sne.s32 s29, $0xFF0;
	s1 =	sshll.u32 s3, $0x4;
	v30 =	vmul.f32 v30, v18;
	v32 =	vld [tilespmem:s25+$0x1380];
	s24 =	sadd.s32 $0x80, s24  }
0x2b: {  	s28 =	sadd.s32 $0x10, s28;
	s1 =	sadd.s32 s1, s24;
	s3 =	sand.u32 $0x7C00, s24;
	v29 =	vmul.f32 v29, v18;
	v33 =	vld [tilespmem:s25+$0x1400];
	v17 =	vadd.f32 v24, v17  }
0x2c: {  	v24 =	vld [tilespmem:s28+$0x0];
	s25 =	sor.u32 s30, s3;
	s1 =	sor.u32 $0x380, s1;
	v26 =	vadd.f32 v30, v26;
	v27 =	vmul.f32 v27, v18  }
0x2d: {  	v34 =	vld [tilespmem:s1+$0x1100];
	v25 =	vadd.f32 v29, v25;
	v28 =	vmul.f32 v28, v18  }
.Ltmp0:
0x2e: {  	v30 =	vld [tilespmem:s25+$0x1100];
	v22 =	vadd.f32 v27, v22;
	v31 =	vmul.f32 v31, v18;
	(pc) =	sbr.rel @p0 .LBB2_3-.Ltmp0, $4  }
0x2f: {  	v29 =	vld [tilespmem:s25+$0x1180];
	v21 =	vadd.f32 v28, v21;
	v32 =	vmul.f32 v32, v18  }
0x30: {  	v27 =	vld [tilespmem:s25+$0x1200];
	v23 =	vadd.f32 v31, v23;
	v33 =	vmul.f32 v33, v18  }
0x31: {  	s26 =	sadd.s32 $0x1, s26;
	v28 =	vld [tilespmem:s25+$0x1280];
	v20 =	vadd.f32 v32, v20;
	v18 =	vmov v24  }
0x32: {  	s3 =	sand.u32 $0x7, s26;
	s30 =	sand.u32 $0x70, s29;
	s29 =	sadd.s32 $0x10, s29;
	v31 =	vld [tilespmem:s25+$0x1300];
	v24 =	vmul.f32 v34, v18;
	v19 =	vadd.f32 v33, v19  }
0x33: {  	v32 =	vld [tilespmem:s25+$0x1380];
	s1 =	sadd.s32 $0x80, s24  }
0x34: {  	v33 =	vld [tilespmem:s25+$0x1400];
	s26 =	sadd.s32 $0x10, s28;
	s24 =	sand.u32 $0x7C00, s1  }
0x35: {  	v34 =	vld [tilespmem:s26+$0x0];
	s24 =	sor.u32 s30, s24  }
0x36: {  	v35 =	vld [tilespmem:s24+$0x1100]  }
0x37: {  	v36 =	vld [tilespmem:s24+$0x1180]  }
0x38: {  	v30 =	vmul.f32 v30, v18;
	v38 =	vld [tilespmem:s24+$0x1280]  }
0x39: {  	v29 =	vmul.f32 v29, v18;
	v37 =	vld [tilespmem:s24+$0x1200]  }
0x3a: {  	s3 =	sshll.u32 s3, $0x4;
	v26 =	vadd.f32 v30, v26;
	v27 =	vmul.f32 v27, v18;
	v28 =	vmul.f32 v28, v18;
	v30 =	vld [tilespmem:s24+$0x1300]  }
0x3b: {  	s1 =	sadd.s32 s3, s1;
	v25 =	vadd.f32 v29, v25;
	v62 =	vld [tilespmem:s24+$0x1380];
	v29 =	vmul.f32 v31, v18;
	v31 =	vmul.f32 v35, v34  }
0x3c: {  	s1 =	sor.u32 $0x380, s1;
	v22 =	vadd.f32 v27, v22;
	v21 =	vadd.f32 v28, v21;
	v28 =	vld [tilespmem:s24+$0x1400];
	v27 =	vmul.f32 v36, v34  }
0x3d: {  	v23 =	vadd.f32 v29, v23;
	v29 =	vld [tilespmem:s1+$0x1100];
	v63 =	vmul.f32 v38, v34;
	v26 =	vadd.f32 v31, v26  }
0x3e: {  	v31 =	vmul.f32 v37, v34;
	v25 =	vadd.f32 v27, v25;
	v27 =	vmul.f32 v32, v18  }
0x3f: {  	v30 =	vmul.f32 v30, v34;
	v18 =	vmul.f32 v33, v18;
	v21 =	vadd.f32 v63, v21;
	[tilespmem:$0x11100] =	vst v26  }
0x40: {  	v22 =	vadd.f32 v31, v22;
	v20 =	vadd.f32 v27, v20;
	v26 =	vmul.f32 v62, v34;
	[tilespmem:$0x11180] =	vst v25  }
0x41: {  	v18 =	vadd.f32 v18, v19;
	v19 =	vadd.f32 v30, v23;
	v23 =	vmul.f32 v28, v34;
	[tilespmem:$0x11280] =	vst v21  }
0x42: {  	s25 =	sshll.u32 s23, $0x1;
	p0 =	seq.s32 s23, $0x2;
	v17 =	vadd.f32 v24, v17;
	[tilespmem:$0x11200] =	vst v22;
	v22 =	vmul.f32 v29, v34;
	v20 =	vadd.f32 v26, v20  }
0x43: {  	s1 =	sadd.s32 @!p0 s25, s9;
	v18 =	vadd.f32 v23, v18;
	[tilespmem:$0x11300] =	vst v19  }
0x44: {  	s1 =	sshll.u32 @!p0 s1, $0xC;
	v17 =	vadd.f32 v22, v17;
	[tilespmem:$0x11380] =	vst v20  }
0x45: {  	s3 =	simm.s32 @!p0 $0x0;
	s1 =	sand.u32 @!p0 $0x1FFFE000, s1;
	[tilespmem:$0x11400] =	vst v18  }
0x46: {  	s26 =	simm.s32 $0x0;
	s24 =	simm.s32 @!p0 $0x1100;
	s1 =	sadd.s32 @!p0 s0, s1;
	[tilespmem:$0x11480] =	vst v17  }
0x47: {  	[tilespmem:s24], [sflag:$0x1] =	stream.linear.gather @!p0 [hbm4b:s1+s3], $0x8000, $0x38;
	[tilespmem:$0x11A00] =	vst v63  }
0x48: {  	s2 =	sand.u32 $0x7, s26;
	_ =	swait.ge [sflag:s19], $0x8000  }
0x49: {  	s1 =	sshll.u32 s2, $0x4;
	[sflag:s19] =	ssyncset.done $0x0  }
0x4a: {  	s1 =	sadd.s32 $0x0, s1;
	[sflag:s19] =	ssyncadd.s32 $0xFFFF8000  }
0x4b: {  	s3 =	sand.u32 $0x70, s26;
	s24 =	sand.u32 $0x7C00, s26;
	s1 =	sor.u32 $0x380, s1;
	v18 =	vld [tilespmem:s26+$0x0]  }
0x4c: {  	s28 =	sor.u32 s3, s24;
	v19 =	vld [tilespmem:s1+$0x9100]  }
0x4d: {  	v30 =	vld [tilespmem:s28+$0x9100]  }
0x4e: {  	v29 =	vld [tilespmem:s28+$0x9180]  }
0x4f: {  	s29 =	simm.s32 $0x1;
	v25 =	vimm.f32 $0.0e+00;
	v21 =	vimm.f32 $0.0e+00;
	v26 =	vimm.f32 $0.0e+00;
	v27 =	vld [tilespmem:s28+$0x9200]  }
0x50: {  	s31 =	simm.s32 $0x20;
	s30 =	simm.s32 $0x0;
	v23 =	vimm.f32 $0.0e+00;
	v22 =	vimm.f32 $0.0e+00;
	v20 =	vimm.f32 $0.0e+00;
	s2 =	simm.s32 $0x10;
	v28 =	vld [tilespmem:s28+$0x9280]  }
0x51: {  	v17 =	vimm.f32 $0.0e+00;
	s24 =	sshll.u32 s23, $0x4;
	s3 =	sand.u32 $0x70, s2;
	s1 =	sand.u32 $0x7, s29;
	v31 =	vld [tilespmem:s28+$0x9300];
	v24 =	vmul.f32 v19, v18;
	v19 =	vimm.f32 $0.0e+00  }
.LBB2_5:
0x52: {  	p1 =	sne.s32 s31, $0xFF0;
	s1 =	sshll.u32 s1, $0x4;
	v30 =	vmul.f32 v30, v18;
	v32 =	vld [tilespmem:s28+$0x9380];
	s26 =	sadd.s32 $0x80, s26  }
0x53: {  	s30 =	sadd.s32 $0x10, s30;
	s1 =	sadd.s32 s1, s26;
	s2 =	sand.u32 $0x7C00, s26;
	v29 =	vmul.f32 v29, v18;
	v33 =	vld [tilespmem:s28+$0x9400];
	v17 =	vadd.f32 v24, v17  }
0x54: {  	v24 =	vld [tilespmem:s30+$0x0];
	s28 =	sor.u32 s3, s2;
	s1 =	sor.u32 $0x380, s1;
	v25 =	vadd.f32 v30, v25;
	v27 =	vmul.f32 v27, v18  }
0x55: {  	v34 =	vld [tilespmem:s1+$0x9100];
	v26 =	vadd.f32 v29, v26;
	v28 =	vmul.f32 v28, v18  }
.Ltmp1:
0x56: {  	v30 =	vld [tilespmem:s28+$0x9100];
	v22 =	vadd.f32 v27, v22;
	v31 =	vmul.f32 v31, v18;
	(pc) =	sbr.rel @p1 .LBB2_5-.Ltmp1, $4  }
0x57: {  	v29 =	vld [tilespmem:s28+$0x9180];
	v21 =	vadd.f32 v28, v21;
	v32 =	vmul.f32 v32, v18  }
0x58: {  	v27 =	vld [tilespmem:s28+$0x9200];
	v23 =	vadd.f32 v31, v23;
	v33 =	vmul.f32 v33, v18  }
0x59: {  	s29 =	sadd.s32 $0x1, s29;
	v28 =	vld [tilespmem:s28+$0x9280];
	v20 =	vadd.f32 v32, v20;
	v18 =	vmov v24  }
0x5a: {  	s3 =	sand.u32 $0x70, s31;
	s31 =	sadd.s32 $0x10, s31;
	s1 =	sand.u32 $0x7, s29;
	v31 =	vld [tilespmem:s28+$0x9300];
	v24 =	vmul.f32 v34, v18;
	v19 =	vadd.f32 v33, v19  }
0x5b: {  	v32 =	vld [tilespmem:s28+$0x9380];
	s2 =	sadd.s32 $0x80, s26  }
0x5c: {  	v33 =	vld [tilespmem:s28+$0x9400];
	s31 =	sadd.s32 $0x10, s30;
	s26 =	sand.u32 $0x7C00, s2  }
0x5d: {  	v34 =	vld [tilespmem:s31+$0x0];
	s3 =	sor.u32 s3, s26  }
0x5e: {  	v35 =	vld [tilespmem:s3+$0x9100]  }
0x5f: {  	v36 =	vld [tilespmem:s3+$0x9180]  }
0x60: {  	v30 =	vmul.f32 v30, v18;
	v37 =	vld [tilespmem:s3+$0x9200]  }
0x61: {  	v29 =	vmul.f32 v29, v18;
	v38 =	vld [tilespmem:s3+$0x9280]  }
0x62: {  	s1 =	sshll.u32 s1, $0x4;
	v25 =	vadd.f32 v30, v25;
	v27 =	vmul.f32 v27, v18;
	v28 =	vmul.f32 v28, v18;
	v47 =	vld [tilespmem:s3+$0x9300]  }
0x63: {  	s1 =	sadd.s32 s1, s2;
	v26 =	vadd.f32 v29, v26;
	v50 =	vld [tilespmem:s3+$0x9380];
	v48 =	vmul.f32 v31, v18;
	v49 =	vmul.f32 v35, v34  }
0x64: {  	s1 =	sor.u32 $0x380, s1;
	v52 =	vld [tilespmem:s3+$0x9400];
	v22 =	vadd.f32 v27, v22;
	v21 =	vadd.f32 v28, v21;
	v51 =	vmul.f32 v36, v34  }
0x65: {  	v53 =	vld [tilespmem:s1+$0x9100];
	v55 =	vmul.f32 v32, v18;
	v54 =	vmul.f32 v37, v34;
	v25 =	vadd.f32 v49, v25  }
0x66: {  	v18 =	vmul.f32 v33, v18;
	v56 =	vmul.f32 v38, v34;
	v26 =	vadd.f32 v51, v26  }
0x67: {  	v23 =	vadd.f32 v48, v23;
	v30 =	vmul.f32 v47, v34;
	v22 =	vadd.f32 v54, v22;
	[tilespmem:$0x11500] =	vst v25  }
0x68: {  	v20 =	vadd.f32 v55, v20;
	v57 =	vmul.f32 v50, v34;
	v21 =	vadd.f32 v56, v21;
	[tilespmem:$0x11580] =	vst v26  }
0x69: {  	v18 =	vadd.f32 v18, v19;
	v58 =	vmul.f32 v52, v34;
	v19 =	vadd.f32 v30, v23;
	[tilespmem:$0x11600] =	vst v22  }
0x6a: {  	v17 =	vadd.f32 v24, v17;
	v59 =	vmul.f32 v53, v34;
	v20 =	vadd.f32 v57, v20;
	[tilespmem:$0x11680] =	vst v21  }
0x6b: {  	s1 =	sadd.s32 @!p0 s25, s10;
	v18 =	vadd.f32 v58, v18;
	[tilespmem:$0x11700] =	vst v19  }
0x6c: {  	s1 =	sshll.u32 @!p0 s1, $0xC;
	v17 =	vadd.f32 v59, v17;
	[tilespmem:$0x11780] =	vst v20  }
0x6d: {  	s1 =	sand.u32 @!p0 $0x1FFFF000, s1;
	[tilespmem:$0x11800] =	vst v18  }
0x6e: {  	s2 =	simm.s32 @!p0 $0x0;
	s3 =	simm.s32 @!p0 $0x9100;
	s1 =	sadd.s32 @!p0 s0, s1;
	[tilespmem:$0x11880] =	vst v17  }
0x6f: {  	[tilespmem:s3], [sflag:$0x2] =	stream.linear.gather @!p0 [hbm4b:s1+s2], $0x8000, $0x38;
	[tilespmem:$0x11A00] =	vst v63  }
0x70: {  	v17 =	vld.idx.msk [tilespmem:v0+s20+$0x0], $0xffff;
	_ =	sdelay $0x1  }
0x71: {  	v18 =	vld.idx.msk [tilespmem:v1+s20+$0x0], $0xffff;
	_ =	sdelay $0x1  }
0x72: {  	v19 =	vld.idx.msk [tilespmem:v2+s20+$0x0], $0xffff  }
0x73: {  	v17 =	vadd.f32 $0.0e+00, v17  }
0x74: {  	v20 =	vld.idx.msk [tilespmem:v3+s20+$0x0], $0xffff  }
0x75: {  	v17 =	vadd.f32 v18, v17  }
0x76: {  	v18 =	vld.idx.msk [tilespmem:v4+s20+$0x0], $0xffff  }
0x77: {  	v17 =	vadd.f32 v19, v17  }
0x78: {  	v19 =	vld.idx.msk [tilespmem:v5+s20+$0x0], $0xffff  }
0x79: {  	v17 =	vadd.f32 v20, v17  }
0x7a: {  	v60 =	vld.idx.msk [tilespmem:v6+s20+$0x0], $0xffff  }
0x7b: {  	v17 =	vadd.f32 v18, v17  }
0x7c: {  	v18 =	vld.idx.msk [tilespmem:v7+s20+$0x0], $0xffff  }
0x7d: {  	v17 =	vadd.f32 v19, v17  }
0x7e: {  	v19 =	vld.idx.msk [tilespmem:v8+s20+$0x0], $0xffff  }
0x7f: {  	v17 =	vadd.f32 v60, v17  }
0x80: {  	v61 =	vld.idx.msk [tilespmem:v9+s20+$0x0], $0xffff  }
0x81: {  	v17 =	vadd.f32 v18, v17  }
0x82: {  	v18 =	vld.idx.msk [tilespmem:v10+s20+$0x0], $0xffff  }
0x83: {  	v17 =	vadd.f32 v19, v17  }
0x84: {  	v19 =	vld.idx.msk [tilespmem:v11+s20+$0x0], $0xffff  }
0x85: {  	v17 =	vadd.f32 v61, v17  }
0x86: {  	v62 =	vld.idx.msk [tilespmem:v12+s20+$0x0], $0xffff  }
0x87: {  	v17 =	vadd.f32 v18, v17  }
0x88: {  	v18 =	vld.idx.msk [tilespmem:v13+s20+$0x0], $0xffff  }
0x89: {  	v17 =	vadd.f32 v19, v17  }
0x8a: {  	v19 =	vld.idx.msk [tilespmem:v14+s20+$0x0], $0xffff  }
0x8b: {  	v17 =	vadd.f32 v62, v17  }
0x8c: {  	v63 =	vld.idx.msk [tilespmem:v15+s20+$0x0], $0xffff  }
0x8d: {  	v17 =	vadd.f32 v18, v17  }
0x8e: {  	v18 =	vld [tilespmem:s24+$0x1000]  }
0x8f: {  	v17 =	vadd.f32 v19, v17;
	_ =	sdelay $0x1  }
0x90: {  	v17 =	vadd.f32 v63, v17  }
0x91: {  	v19 =	vld [tilespmem:s24+$0x1080]  }
0x92: {  	v17 =	vsub.f32 v17, v18;
	_ =	sdelay $0x1  }
0x93: {  	v18 =	vxor.u32 $0x80000000, v17  }
0x94: {  	s23 =	sadd.s32 $0x1, s23;
	v18 =	vmax.f32 v18, $0.0e+00  }
0x95: {  	p0 =	sne.s32 s23, $0x3;
	v18 =	vmul.f32 v18, v19  }
.Ltmp2:
0x96: {  	_ = 	snop;
	(pc) =	sbr.rel @p0 .LBB2_2-.Ltmp2, $3  }
0x97: {  	v17 =	vadd.f32 v18, v17;
	_ =	sdelay $0x1  }
0x98: {  	v17 =	vand.u32 $0x7FFFFFFF, v17  }
0x99: {  	v16 =	vadd.f32 v17, v16  }
0x9a: {  	v17 =	vld [tilespmem:$0x1000]  }
0x9b: {  	v18 =	vld [tilespmem:$0x1010];
	_ =	sdelay $0x1  }
0x9c: {  	v19 =	vld [tilespmem:$0x1020];
	_ =	sdelay $0x2  }
0x9d: {  	v17 =	vand.u32 $0x7FFFFFFF, v17;
	v18 =	vand.u32 $0x7FFFFFFF, v18  }
0x9e: {  	v17 =	vadd.f32 v18, v17  }
0x9f: {  	v63 =	vand.u32 $0x7FFFFFFF, v19  }
0xa0: {  	s22 =	sadd.s32 $0x1, s22;
	v17 =	vadd.f32 v63, v17  }
0xa1: {  	[tilespmem:$0x11900] =	vst v16;
	p0 =	sne.s32 s22, s12  }
.Ltmp3:
0xa2: {  	[tilespmem:$0x11980] =	vst v17;
	(pc) =	sbr.rel @p0 .LBB2_1-.Ltmp3, $4  }
0xa3: {  	[hbm4b:s11+s4] =	stream.linear.scatter [tilespmem:s21], [sflag:$0x3], $0x100, $0x38;
	[tilespmem:$0x11A00] =	vst v63  }
0xa4: {  	_ =	swait.ge [sflag:s13], $0x100  }
0xa5: {  	[sflag:s13] =	ssyncset.done $0x0  }
0xa6: {  	[sflag:s13] =	ssyncadd.s32 $0xFFFFFF00  }
0xa7: {  	_ =	sfence.sel $0x180000  }
0xa8: {  	[bflag:$0x0] =	sbarrier.arrive $0xFFFF  }
0xa9: {  	_ =	strace $0x90000047  }
0xaa: {  	s0 =	stileid.u32;
	[bflag:$0x2] =	sbarrier.arrive $0xFFFF  }
0xab: {  	p0 =	sne.s32 s0, $0x0;
	s0 =	rddreg [dreg:$0x5]  }
0xac: {  	s0 =	sadd.s32 @!p0 $0x100000, s0  }
0xad: {  	[sflag:s0] =	ssyncadd.tile.s32 @!p0 $0x1;
	_ =	shalt  }
.Lfunc_end2:
_tile_overlayer_lowered:
.L_overlay_start_2:
0xae: {  	(tag) =	ssettag $0x2  }
0xaf: {  	s0 =	rddreg [dreg:$0x0];
	s2 =	stileid.u32  }
0xb0: {  	s1 =	rddreg [dreg:$0x1];
	p0 =	sne.s32 s2, $0x0  }
0xb1: {  	s3 =	rddreg [dreg:$0x2];
	[bflag:$0x3] =	sbarrier.arrive $0xFFFF;
	s2 =	simm.s32 @!p0 $0x1C03  }
0xb2: {  	[timem:s3], [sflag:s2] =	dma.local @!p0 [hbm:s0], s1  }
0xb3: {  	s0 =	simm.s32 @!p0 $0x3  }
0xb4: {  	_ =	swait.ge @!p0 [sflag:s0], s1  }
0xb5: {  	s1 =	ssub.s32 @!p0 $0x0, s1;
	[sflag:s0] =	ssyncset.done @!p0 $0x0  }
0xb6: {  	[sflag:s0] =	ssyncadd.s32 @!p0 s1  }
0xb7: {  	[bflag:$0x3] =	sbarrier.arrive $0xFFFF  }
0xb8: {  	_ =	shalt  }

</sc_bundles>
